<compile_context>
chip_gen: v7x
topology: tpu7x:2x2x1
jax: 0.10.2.dev20260603
libtpu: 0.0.44.dev20260713+nightly
codegen_flags: <defaults>
</compile_context>

<pallas_src>
import functools

import jax
import jax.numpy as jnp
from jax import lax
from jax.experimental import pallas as pl
from jax.experimental.pallas import tpu as pltpu
from jax.experimental.pallas import tpu_sc as plsc

H = 64
SBF = 42

_NC = 2
_NS = 16
_NW = _NC * _NS

_CHUNK = 104
_DEPTH = 3
_NIDX = 6


def _swish(x):
    return x * (1.0 / (1.0 + jnp.exp(-x)))


def _dot0(a, b):
    return lax.dot_general(a, b, (((0,), (0,)), ((), ())),
                           preferred_element_type=jnp.float32)


def _tc_pre_body(eT_ref, Wcat_ref, g_ref):
    g_ref[...] = _dot0(eT_ref[...], Wcat_ref[...])


def _make_tc_pre(E, BT):
    return pl.pallas_call(
        _tc_pre_body,
        grid=(E // BT,),
        in_specs=[
            pl.BlockSpec((H, BT), lambda i: (0, i)),
            pl.BlockSpec((H, 2 * H), lambda i: (0, 0)),
        ],
        out_specs=pl.BlockSpec((BT, 2 * H), lambda i: (i, 0)),
        out_shape=jax.ShapeDtypeStruct((E, 2 * H), jnp.float32),
        compiler_params=pltpu.CompilerParams(
            dimension_semantics=("arbitrary",),
        ),
    )


def _make_sc(T):
    tpw = T // _NW
    n_iter = -(-tpw // _CHUNK)
    n_iter = -(-n_iter // _DEPTH) * _DEPTH
    mesh = plsc.VectorSubcoreMesh(core_axis_name="c", subcore_axis_name="s")
    C = _CHUNK

    @functools.partial(
        pl.kernel,
        mesh=mesh,
        out_type=jax.ShapeDtypeStruct((T, H), jnp.float32),
        scratch_types=[
            pltpu.VMEM((_NIDX, C), jnp.int32),
            pltpu.VMEM((_NIDX, C), jnp.int32),
            pltpu.VMEM((_DEPTH, C, 2 * H), jnp.float32),
            pltpu.VMEM((_DEPTH, C, 2 * H), jnp.float32),
            pltpu.VMEM((_DEPTH, C, H), jnp.float32),
            pltpu.SemaphoreType.DMA,
            pltpu.SemaphoreType.DMA,
            pltpu.SemaphoreType.DMA,
            pltpu.SemaphoreType.DMA,
        ],
    )
    def sc_sum(g_hbm, idx_ji_hbm, idx_kj_hbm, s_hbm,
               idx1_v, idx2_v, buf1_v, buf2_v, out_v,
               sem_i, sem_g1, sem_g2, sem_w):
        wid = lax.axis_index("s") * _NC + lax.axis_index("c")

        def base(c):
            return pl.multiple_of(wid * tpw + lax.min(c * C, tpw - C), 8)

        def idx_copies(c, s):
            return (
                pltpu.make_async_copy(idx_ji_hbm.at[pl.ds(base(c), C)],
                                      idx1_v.at[s], sem_i),
                pltpu.make_async_copy(idx_kj_hbm.at[pl.ds(base(c), C)],
                                      idx2_v.at[s], sem_i),
            )

        def gather_copies(b, s):
            return (
                pltpu.make_async_copy(g_hbm.at[idx1_v.at[s]], buf1_v.at[b],
                                      sem_g1),
                pltpu.make_async_copy(g_hbm.at[idx2_v.at[s]], buf2_v.at[b],
                                      sem_g2),
            )

        def write_copy(c, b):
            return pltpu.make_async_copy(out_v.at[b],
                                         s_hbm.at[pl.ds(base(c), C)], sem_w)

        def valu(b):
            def row(r, cr):
                for gi in range(H // 16):
                    out_v[b, r, pl.ds(gi * 16, 16)] = (
                        buf1_v[b, r, pl.ds(gi * 16, 16)]
                        + buf2_v[b, r, pl.ds(H + gi * 16, 16)])
                return cr

            lax.fori_loop(0, C, row, 0)

        for c in range(min(_NIDX - 1, n_iter)):
            for cp in idx_copies(c, c % _NIDX):
                cp.start()
        for c in range(min(_DEPTH, n_iter)):
            for cp in idx_copies(c, c % _NIDX):
                cp.wait()
            for cp in gather_copies(c % _DEPTH, c % _NIDX):
                cp.start()

        def outer(i, carry):
            for b in range(_DEPTH):
                c = _DEPTH * i + b

                for cp in gather_copies(b, 0):
                    cp.wait()

                @pl.when(c + _NIDX - 1 < n_iter)
                def _():
                    for cp in idx_copies(c + _NIDX - 1,
                                         (c + _NIDX - 1) % _NIDX):
                        cp.start()

                @pl.when(c >= _DEPTH)
                def _():
                    write_copy(c - _DEPTH, b).wait()

                valu(b)
                write_copy(c, b).start()

                @pl.when(c + _DEPTH < n_iter)
                def _():
                    for cp in idx_copies(c + _DEPTH, (c + _DEPTH) % _NIDX):
                        cp.wait()
                    for cp in gather_copies(b, (c + _DEPTH) % _NIDX):
                        cp.start()
            return carry

        lax.fori_loop(0, n_iter // _DEPTH, outer, 0)

        for b in range(_DEPTH):
            c = n_iter - _DEPTH + b
            write_copy(c, c % _DEPTH).wait()

    return sc_sum


def _tc_tail_body(s_ref, areaT_ref, sbfT_ref, Wsbf_ref, bsbf_ref,
                  cs3_ref, W4_ref, blin_ref, w1_ref, b1_ref, pT_ref):
    x = s_ref[...]
    s_a = _swish(areaT_ref[0:1, :] * w1_ref[...] + b1_ref[...])
    x += _dot0(s_a, cs3_ref[...])
    sbf0 = _swish(_dot0(sbfT_ref[...], Wsbf_ref[...]) + bsbf_ref[...])
    x += jnp.dot(sbf0, W4_ref[...], preferred_element_type=jnp.float32)
    pT_ref[...] = _swish(x + blin_ref[...]).T


def _make_tc_tail(T, BT):
    def col_blk(i):
        return (0, i)

    def full_blk(i):
        return (0, 0)

    return pl.pallas_call(
        _tc_tail_body,
        grid=(T // BT,),
        in_specs=[
            pl.BlockSpec((BT, H), lambda i: (i, 0)),
            pl.BlockSpec((8, BT), col_blk),
            pl.BlockSpec((SBF, BT), col_blk),
            pl.BlockSpec((SBF, H), full_blk),
            pl.BlockSpec((1, H), full_blk),
            pl.BlockSpec((1, H), full_blk),
            pl.BlockSpec((H, H), full_blk),
            pl.BlockSpec((1, H), full_blk),
            pl.BlockSpec((1, 1), full_blk),
            pl.BlockSpec((1, 1), full_blk),
        ],
        out_specs=pl.BlockSpec((H, BT), col_blk),
        out_shape=jax.ShapeDtypeStruct((H, T), jnp.float32),
        compiler_params=pltpu.CompilerParams(
            dimension_semantics=("arbitrary",),
        ),
    )


def kernel(e, area, sbf, idx_ji, idx_kj, W_sbf, b_sbf, W_lin, b_lin,
           weight1, bias1):
    T = sbf.shape[0]
    E = e.shape[0]
    idx_ji = idx_ji.astype(jnp.int32)
    idx_kj = idx_kj.astype(jnp.int32)

    Wcat = jnp.concatenate([W_lin[0:H], W_lin[H:2 * H]], axis=1)
    cs3 = jnp.sum(W_lin[2 * H:3 * H], axis=0, keepdims=True)

    g = _make_tc_pre(E, 3200)(e.T, Wcat)
    s = _make_sc(T)(g, idx_ji, idx_kj)
    pT = _make_tc_tail(T, 3200)(
        s, area.T, sbf.T,
        W_sbf, b_sbf.reshape(1, H),
        cs3, W_lin[3 * H:4 * H], b_lin.reshape(1, H),
        weight1.reshape(1, 1), bias1.reshape(1, 1),
    )
    return pT.T

# --- scband reference (transcript-rebuilt; emitter-appended) ---
"""Pipeline reference for scband-init-p-55387898250014 (READ-ONLY COPY).

The authoritative reference and input builder live on the scoring server;
editing this copy changes nothing except your own understanding.
"""

import jax, jax.numpy as jnp
import numpy as np

E = 800000
T = 800000
H = 64
SBF = 42  # num_spherical * num_radial = 7 * 6


def swish(x):
    return x * jax.nn.sigmoid(x)


def setup_inputs(seed: int = 0) -> dict:
    key = jax.random.key(seed)
    ks = jax.random.split(key, 8)
    e = jax.random.normal(ks[0], (E, H), dtype=jnp.float32)
    area = jax.random.uniform(ks[1], (T,), dtype=jnp.float32)  # raw per-triplet area; repeated to H cols like emb class
    area = jnp.tile(area[:, None], (1, H))
    sbf = jax.random.normal(ks[2], (T, SBF), dtype=jnp.float32)
    idx_ji = jax.random.randint(ks[3], (T,), 0, E)
    idx_kj = jax.random.randint(ks[4], (T,), 0, E)
    # learned params (per init_kwargs: lin_sbf_0: 42->64, lin: 4*64->64, weight1/bias1 scalars)
    W_sbf = jax.random.normal(ks[5], (SBF, H), dtype=jnp.float32) * (1.0 / np.sqrt(SBF))
    b_sbf = jnp.zeros((H,), dtype=jnp.float32)
    W_lin = jax.random.normal(ks[6], (4 * H, H), dtype=jnp.float32) * (1.0 / np.sqrt(4 * H))
    b_lin = jnp.zeros((H,), dtype=jnp.float32)
    weight1 = jnp.ones((1,), dtype=jnp.float32)
    bias1 = jnp.zeros((1,), dtype=jnp.float32)
    return {
        "e": e, "area": area, "sbf": sbf,
        "idx_ji": idx_ji, "idx_kj": idx_kj,
        "W_sbf": W_sbf, "b_sbf": b_sbf,
        "W_lin": W_lin, "b_lin": b_lin,
        "weight1": weight1, "bias1": bias1,
    }


def reference(e, area, sbf, idx_ji, idx_kj, W_sbf, b_sbf, W_lin, b_lin, weight1, bias1):
    # init_p.forward: e,_ = e ; _,_,_,_,_,area,_,sbf = emb
    area_a = swish(area * weight1 + bias1)
    sbf0 = swish(sbf @ W_sbf + b_sbf)
    e_ji = jnp.take(e, idx_ji, axis=0)
    e_kj = jnp.take(e, idx_kj, axis=0)
    cat = jnp.concatenate([e_ji, e_kj, area_a, sbf0], axis=-1)
    p = swish(cat @ W_lin + b_lin)
    return p

if __name__ == "__main__":
    import jax
    _d = setup_inputs()
    print(jax.jit(kernel)(*tuple(_d.values())))

</pallas_src>

<mosaic_0001>
#map = affine_map<(d0, d1) -> (0, 0)>
#map1 = affine_map<(d0, d1) -> (0)>
module attributes {stable_mosaic.version = 14 : i64} {
  func.func @sc_sum(%arg0: i32, %arg1: i32, %arg2: memref<800000x128xf32, #tpu.memory_space<hbm>>, %arg3: memref<800000xi32, #tpu.memory_space<hbm>>, %arg4: memref<800000xi32, #tpu.memory_space<hbm>>, %arg5: memref<800000x64xf32, #tpu.memory_space<hbm>>, %arg6: memref<6x104xi32, #tpu.memory_space<vmem>>, %arg7: memref<6x104xi32, #tpu.memory_space<vmem>>, %arg8: memref<3x104x128xf32, #tpu.memory_space<vmem>>, %arg9: memref<3x104x128xf32, #tpu.memory_space<vmem>>, %arg10: memref<3x104x64xf32, #tpu.memory_space<vmem>>, %arg11: memref<!tpu.dma_semaphore, #tpu.memory_space<semaphore_mem>>, %arg12: memref<!tpu.dma_semaphore, #tpu.memory_space<semaphore_mem>>, %arg13: memref<!tpu.dma_semaphore, #tpu.memory_space<semaphore_mem>>, %arg14: memref<!tpu.dma_semaphore, #tpu.memory_space<semaphore_mem>>) attributes {dimension_semantics = [#tpu.dimension_semantics<core_parallel>, #tpu.dimension_semantics<subcore_parallel>], iteration_bounds = array<i64: 2, 16>, scalar_prefetch = 0 : i64, scratch_operands = 9 : i64, tpu.core_type = #tpu.core_type<sc_vector_subcore>, window_params = [{transform_indices = #map}, {transform_indices = #map1}, {transform_indices = #map1}, {transform_indices = #map}]} {
    %mul3A = arith.constant 2 : i32
    %mul3A_0 = arith.muli %arg1, %mul3A : i32
    %add3A = arith.addi %mul3A_0, %arg0 : i32
    %mul3A_1 = arith.constant 25000 : i32
    %mul3A_2 = arith.muli %add3A, %mul3A_1 : i32
    %min3A = arith.constant 0 : i32
    %min3A_3 = arith.constant 24896 : i32
    %min3A_4 = arith.minsi %min3A, %min3A_3 : i32
    %add3A_5 = arith.addi %mul3A_2, %min3A_4 : i32
    %multiple_of3A = tpu.assume_multiple %add3A_5, 8 : i32
    %mul3A_6 = arith.constant 25000 : i32
    %mul3A_7 = arith.muli %add3A, %mul3A_6 : i32
    %min3A_8 = arith.constant 0 : i32
    %min3A_9 = arith.constant 24896 : i32
    %min3A_10 = arith.minsi %min3A_8, %min3A_9 : i32
    %add3A_11 = arith.addi %mul3A_7, %min3A_10 : i32
    %multiple_of3A_12 = tpu.assume_multiple %add3A_11, 8 : i32
    %dma_start3A = arith.constant 0 : i32
    %dma_start3A_13 = arith.constant 0 : i32
    %dma_start3A_14 = tpu.memref_slice %arg6[%dma_start3A, %dma_start3A_13] : memref<6x104xi32, #tpu.memory_space<vmem>> -> memref<1x104xi32, #tpu.memory_space<vmem>>
    %dma_start3A_15 = tpu.memref_squeeze %dma_start3A_14 : memref<1x104xi32, #tpu.memory_space<vmem>> -> memref<104xi32, #tpu.memory_space<vmem>>
    %dma_start3A_16 = tpu.memref_slice %arg3[%multiple_of3A] : memref<800000xi32, #tpu.memory_space<hbm>> -> memref<104xi32, #tpu.memory_space<hbm>>
    %dma_start3A_17 = arith.constant 0 : i32
    %dma_start3A_18 = tpu.memref_slice %arg6[%dma_start3A, %dma_start3A_17] : memref<6x104xi32, #tpu.memory_space<vmem>> -> memref<1x104xi32, #tpu.memory_space<vmem>>
    %dma_start3A_19 = tpu.memref_squeeze %dma_start3A_18 : memref<1x104xi32, #tpu.memory_space<vmem>> -> memref<104xi32, #tpu.memory_space<vmem>>
    %dma_start3A_20 = tpu.memref_slice %arg3[%multiple_of3A] : memref<800000xi32, #tpu.memory_space<hbm>> -> memref<104xi32, #tpu.memory_space<hbm>>
    tpu.enqueue_dma source(%dma_start3A_20 : memref<104xi32, #tpu.memory_space<hbm>>) target(%dma_start3A_19 : memref<104xi32, #tpu.memory_space<vmem>>) target_semaphore(%arg11 : memref<!tpu.dma_semaphore, #tpu.memory_space<semaphore_mem>>)
    %dma_start3A_21 = arith.constant 0 : i32
    %dma_start3A_22 = arith.constant 0 : i32
    %dma_start3A_23 = tpu.memref_slice %arg7[%dma_start3A_21, %dma_start3A_22] : memref<6x104xi32, #tpu.memory_space<vmem>> -> memref<1x104xi32, #tpu.memory_space<vmem>>
    %dma_start3A_24 = tpu.memref_squeeze %dma_start3A_23 : memref<1x104xi32, #tpu.memory_space<vmem>> -> memref<104xi32, #tpu.memory_space<vmem>>
    %dma_start3A_25 = tpu.memref_slice %arg4[%multiple_of3A_12] : memref<800000xi32, #tpu.memory_space<hbm>> -> memref<104xi32, #tpu.memory_space<hbm>>
    %dma_start3A_26 = arith.constant 0 : i32
    %dma_start3A_27 = tpu.memref_slice %arg7[%dma_start3A_21, %dma_start3A_26] : memref<6x104xi32, #tpu.memory_space<vmem>> -> memref<1x104xi32, #tpu.memory_space<vmem>>
    %dma_start3A_28 = tpu.memref_squeeze %dma_start3A_27 : memref<1x104xi32, #tpu.memory_space<vmem>> -> memref<104xi32, #tpu.memory_space<vmem>>
    %dma_start3A_29 = tpu.memref_slice %arg4[%multiple_of3A_12] : memref<800000xi32, #tpu.memory_space<hbm>> -> memref<104xi32, #tpu.memory_space<hbm>>
    tpu.enqueue_dma source(%dma_start3A_29 : memref<104xi32, #tpu.memory_space<hbm>>) target(%dma_start3A_28 : memref<104xi32, #tpu.memory_space<vmem>>) target_semaphore(%arg11 : memref<!tpu.dma_semaphore, #tpu.memory_space<semaphore_mem>>)
    %mul3A_30 = arith.constant 25000 : i32
    %mul3A_31 = arith.muli %add3A, %mul3A_30 : i32
    %min3A_32 = arith.constant 104 : i32
    %min3A_33 = arith.constant 24896 : i32
    %min3A_34 = arith.minsi %min3A_32, %min3A_33 : i32
    %add3A_35 = arith.addi %mul3A_31, %min3A_34 : i32
    %multiple_of3A_36 = tpu.assume_multiple %add3A_35, 8 : i32
    %mul3A_37 = arith.constant 25000 : i32
    %mul3A_38 = arith.muli %add3A, %mul3A_37 : i32
    %min3A_39 = arith.constant 104 : i32
    %min3A_40 = arith.constant 24896 : i32
    %min3A_41 = arith.minsi %min3A_39, %min3A_40 : i32
    %add3A_42 = arith.addi %mul3A_38, %min3A_41 : i32
    %multiple_of3A_43 = tpu.assume_multiple %add3A_42, 8 : i32
    %dma_start3A_44 = arith.constant 1 : i32
    %dma_start3A_45 = arith.constant 0 : i32
    %dma_start3A_46 = tpu.memref_slice %arg6[%dma_start3A_44, %dma_start3A_45] : memref<6x104xi32, #tpu.memory_space<vmem>> -> memref<1x104xi32, #tpu.memory_space<vmem>>
    %dma_start3A_47 = tpu.memref_squeeze %dma_start3A_46 : memref<1x104xi32, #tpu.memory_space<vmem>> -> memref<104xi32, #tpu.memory_space<vmem>>
    %dma_start3A_48 = tpu.memref_slice %arg3[%multiple_of3A_36] : memref<800000xi32, #tpu.memory_space<hbm>> -> memref<104xi32, #tpu.memory_space<hbm>>
    %dma_start3A_49 = arith.constant 0 : i32
    %dma_start3A_50 = tpu.memref_slice %arg6[%dma_start3A_44, %dma_start3A_49] : memref<6x104xi32, #tpu.memory_space<vmem>> -> memref<1x104xi32, #tpu.memory_space<vmem>>
    %dma_start3A_51 = tpu.memref_squeeze %dma_start3A_50 : memref<1x104xi32, #tpu.memory_space<vmem>> -> memref<104xi32, #tpu.memory_space<vmem>>
    %dma_start3A_52 = tpu.memref_slice %arg3[%multiple_of3A_36] : memref<800000xi32, #tpu.memory_space<hbm>> -> memref<104xi32, #tpu.memory_space<hbm>>
    tpu.enqueue_dma source(%dma_start3A_52 : memref<104xi32, #tpu.memory_space<hbm>>) target(%dma_start3A_51 : memref<104xi32, #tpu.memory_space<vmem>>) target_semaphore(%arg11 : memref<!tpu.dma_semaphore, #tpu.memory_space<semaphore_mem>>)
    %dma_start3A_53 = arith.constant 1 : i32
    %dma_start3A_54 = arith.constant 0 : i32
    %dma_start3A_55 = tpu.memref_slice %arg7[%dma_start3A_53, %dma_start3A_54] : memref<6x104xi32, #tpu.memory_space<vmem>> -> memref<1x104xi32, #tpu.memory_space<vmem>>
    %dma_start3A_56 = tpu.memref_squeeze %dma_start3A_55 : memref<1x104xi32, #tpu.memory_space<vmem>> -> memref<104xi32, #tpu.memory_space<vmem>>
    %dma_start3A_57 = tpu.memref_slice %arg4[%multiple_of3A_43] : memref<800000xi32, #tpu.memory_space<hbm>> -> memref<104xi32, #tpu.memory_space<hbm>>
    %dma_start3A_58 = arith.constant 0 : i32
    %dma_start3A_59 = tpu.memref_slice %arg7[%dma_start3A_53, %dma_start3A_58] : memref<6x104xi32, #tpu.memory_space<vmem>> -> memref<1x104xi32, #tpu.memory_space<vmem>>
    %dma_start3A_60 = tpu.memref_squeeze %dma_start3A_59 : memref<1x104xi32, #tpu.memory_space<vmem>> -> memref<104xi32, #tpu.memory_space<vmem>>
    %dma_start3A_61 = tpu.memref_slice %arg4[%multiple_of3A_43] : memref<800000xi32, #tpu.memory_space<hbm>> -> memref<104xi32, #tpu.memory_space<hbm>>
    tpu.enqueue_dma source(%dma_start3A_61 : memref<104xi32, #tpu.memory_space<hbm>>) target(%dma_start3A_60 : memref<104xi32, #tpu.memory_space<vmem>>) target_semaphore(%arg11 : memref<!tpu.dma_semaphore, #tpu.memory_space<semaphore_mem>>)
    %mul3A_62 = arith.constant 25000 : i32
    %mul3A_63 = arith.muli %add3A, %mul3A_62 : i32
    %min3A_64 = arith.constant 208 : i32
    %min3A_65 = arith.constant 24896 : i32
    %min3A_66 = arith.minsi %min3A_64, %min3A_65 : i32
    %add3A_67 = arith.addi %mul3A_63, %min3A_66 : i32
    %multiple_of3A_68 = tpu.assume_multiple %add3A_67, 8 : i32
    %mul3A_69 = arith.constant 25000 : i32
    %mul3A_70 = arith.muli %add3A, %mul3A_69 : i32
    %min3A_71 = arith.constant 208 : i32
    %min3A_72 = arith.constant 24896 : i32
    %min3A_73 = arith.minsi %min3A_71, %min3A_72 : i32
    %add3A_74 = arith.addi %mul3A_70, %min3A_73 : i32
    %multiple_of3A_75 = tpu.assume_multiple %add3A_74, 8 : i32
    %dma_start3A_76 = arith.constant 2 : i32
    %dma_start3A_77 = arith.constant 0 : i32
    %dma_start3A_78 = tpu.memref_slice %arg6[%dma_start3A_76, %dma_start3A_77] : memref<6x104xi32, #tpu.memory_space<vmem>> -> memref<1x104xi32, #tpu.memory_space<vmem>>
    %dma_start3A_79 = tpu.memref_squeeze %dma_start3A_78 : memref<1x104xi32, #tpu.memory_space<vmem>> -> memref<104xi32, #tpu.memory_space<vmem>>
    %dma_start3A_80 = tpu.memref_slice %arg3[%multiple_of3A_68] : memref<800000xi32, #tpu.memory_space<hbm>> -> memref<104xi32, #tpu.memory_space<hbm>>
    %dma_start3A_81 = arith.constant 0 : i32
    %dma_start3A_82 = tpu.memref_slice %arg6[%dma_start3A_76, %dma_start3A_81] : memref<6x104xi32, #tpu.memory_space<vmem>> -> memref<1x104xi32, #tpu.memory_space<vmem>>
    %dma_start3A_83 = tpu.memref_squeeze %dma_start3A_82 : memref<1x104xi32, #tpu.memory_space<vmem>> -> memref<104xi32, #tpu.memory_space<vmem>>
    %dma_start3A_84 = tpu.memref_slice %arg3[%multiple_of3A_68] : memref<800000xi32, #tpu.memory_space<hbm>> -> memref<104xi32, #tpu.memory_space<hbm>>
    tpu.enqueue_dma source(%dma_start3A_84 : memref<104xi32, #tpu.memory_space<hbm>>) target(%dma_start3A_83 : memref<104xi32, #tpu.memory_space<vmem>>) target_semaphore(%arg11 : memref<!tpu.dma_semaphore, #tpu.memory_space<semaphore_mem>>)
    %dma_start3A_85 = arith.constant 2 : i32
    %dma_start3A_86 = arith.constant 0 : i32
    %dma_start3A_87 = tpu.memref_slice %arg7[%dma_start3A_85, %dma_start3A_86] : memref<6x104xi32, #tpu.memory_space<vmem>> -> memref<1x104xi32, #tpu.memory_space<vmem>>
    %dma_start3A_88 = tpu.memref_squeeze %dma_start3A_87 : memref<1x104xi32, #tpu.memory_space<vmem>> -> memref<104xi32, #tpu.memory_space<vmem>>
    %dma_start3A_89 = tpu.memref_slice %arg4[%multiple_of3A_75] : memref<800000xi32, #tpu.memory_space<hbm>> -> memref<104xi32, #tpu.memory_space<hbm>>
    %dma_start3A_90 = arith.constant 0 : i32
    %dma_start3A_91 = tpu.memref_slice %arg7[%dma_start3A_85, %dma_start3A_90] : memref<6x104xi32, #tpu.memory_space<vmem>> -> memref<1x104xi32, #tpu.memory_space<vmem>>
    %dma_start3A_92 = tpu.memref_squeeze %dma_start3A_91 : memref<1x104xi32, #tpu.memory_space<vmem>> -> memref<104xi32, #tpu.memory_space<vmem>>
    %dma_start3A_93 = tpu.memref_slice %arg4[%multiple_of3A_75] : memref<800000xi32, #tpu.memory_space<hbm>> -> memref<104xi32, #tpu.memory_space<hbm>>
    tpu.enqueue_dma source(%dma_start3A_93 : memref<104xi32, #tpu.memory_space<hbm>>) target(%dma_start3A_92 : memref<104xi32, #tpu.memory_space<vmem>>) target_semaphore(%arg11 : memref<!tpu.dma_semaphore, #tpu.memory_space<semaphore_mem>>)
    %mul3A_94 = arith.constant 25000 : i32
    %mul3A_95 = arith.muli %add3A, %mul3A_94 : i32
    %min3A_96 = arith.constant 312 : i32
    %min3A_97 = arith.constant 24896 : i32
    %min3A_98 = arith.minsi %min3A_96, %min3A_97 : i32
    %add3A_99 = arith.addi %mul3A_95, %min3A_98 : i32
    %multiple_of3A_100 = tpu.assume_multiple %add3A_99, 8 : i32
    %mul3A_101 = arith.constant 25000 : i32
    %mul3A_102 = arith.muli %add3A, %mul3A_101 : i32
    %min3A_103 = arith.constant 312 : i32
    %min3A_104 = arith.constant 24896 : i32
    %min3A_105 = arith.minsi %min3A_103, %min3A_104 : i32
    %add3A_106 = arith.addi %mul3A_102, %min3A_105 : i32
    %multiple_of3A_107 = tpu.assume_multiple %add3A_106, 8 : i32
    %dma_start3A_108 = arith.constant 3 : i32
    %dma_start3A_109 = arith.constant 0 : i32
    %dma_start3A_110 = tpu.memref_slice %arg6[%dma_start3A_108, %dma_start3A_109] : memref<6x104xi32, #tpu.memory_space<vmem>> -> memref<1x104xi32, #tpu.memory_space<vmem>>
    %dma_start3A_111 = tpu.memref_squeeze %dma_start3A_110 : memref<1x104xi32, #tpu.memory_space<vmem>> -> memref<104xi32, #tpu.memory_space<vmem>>
    %dma_start3A_112 = tpu.memref_slice %arg3[%multiple_of3A_100] : memref<800000xi32, #tpu.memory_space<hbm>> -> memref<104xi32, #tpu.memory_space<hbm>>
    %dma_start3A_113 = arith.constant 0 : i32
    %dma_start3A_114 = tpu.memref_slice %arg6[%dma_start3A_108, %dma_start3A_113] : memref<6x104xi32, #tpu.memory_space<vmem>> -> memref<1x104xi32, #tpu.memory_space<vmem>>
    %dma_start3A_115 = tpu.memref_squeeze %dma_start3A_114 : memref<1x104xi32, #tpu.memory_space<vmem>> -> memref<104xi32, #tpu.memory_space<vmem>>
    %dma_start3A_116 = tpu.memref_slice %arg3[%multiple_of3A_100] : memref<800000xi32, #tpu.memory_space<hbm>> -> memref<104xi32, #tpu.memory_space<hbm>>
    tpu.enqueue_dma source(%dma_start3A_116 : memref<104xi32, #tpu.memory_space<hbm>>) target(%dma_start3A_115 : memref<104xi32, #tpu.memory_space<vmem>>) target_semaphore(%arg11 : memref<!tpu.dma_semaphore, #tpu.memory_space<semaphore_mem>>)
    %dma_start3A_117 = arith.constant 3 : i32
    %dma_start3A_118 = arith.constant 0 : i32
    %dma_start3A_119 = tpu.memref_slice %arg7[%dma_start3A_117, %dma_start3A_118] : memref<6x104xi32, #tpu.memory_space<vmem>> -> memref<1x104xi32, #tpu.memory_space<vmem>>
    %dma_start3A_120 = tpu.memref_squeeze %dma_start3A_119 : memref<1x104xi32, #tpu.memory_space<vmem>> -> memref<104xi32, #tpu.memory_space<vmem>>
    %dma_start3A_121 = tpu.memref_slice %arg4[%multiple_of3A_107] : memref<800000xi32, #tpu.memory_space<hbm>> -> memref<104xi32, #tpu.memory_space<hbm>>
    %dma_start3A_122 = arith.constant 0 : i32
    %dma_start3A_123 = tpu.memref_slice %arg7[%dma_start3A_117, %dma_start3A_122] : memref<6x104xi32, #tpu.memory_space<vmem>> -> memref<1x104xi32, #tpu.memory_space<vmem>>
    %dma_start3A_124 = tpu.memref_squeeze %dma_start3A_123 : memref<1x104xi32, #tpu.memory_space<vmem>> -> memref<104xi32, #tpu.memory_space<vmem>>
    %dma_start3A_125 = tpu.memref_slice %arg4[%multiple_of3A_107] : memref<800000xi32, #tpu.memory_space<hbm>> -> memref<104xi32, #tpu.memory_space<hbm>>
    tpu.enqueue_dma source(%dma_start3A_125 : memref<104xi32, #tpu.memory_space<hbm>>) target(%dma_start3A_124 : memref<104xi32, #tpu.memory_space<vmem>>) target_semaphore(%arg11 : memref<!tpu.dma_semaphore, #tpu.memory_space<semaphore_mem>>)
    %mul3A_126 = arith.constant 25000 : i32
    %mul3A_127 = arith.muli %add3A, %mul3A_126 : i32
    %min3A_128 = arith.constant 416 : i32
    %min3A_129 = arith.constant 24896 : i32
    %min3A_130 = arith.minsi %min3A_128, %min3A_129 : i32
    %add3A_131 = arith.addi %mul3A_127, %min3A_130 : i32
    %multiple_of3A_132 = tpu.assume_multiple %add3A_131, 8 : i32
    %mul3A_133 = arith.constant 25000 : i32
    %mul3A_134 = arith.muli %add3A, %mul3A_133 : i32
    %min3A_135 = arith.constant 416 : i32
    %min3A_136 = arith.constant 24896 : i32
    %min3A_137 = arith.minsi %min3A_135, %min3A_136 : i32
    %add3A_138 = arith.addi %mul3A_134, %min3A_137 : i32
    %multiple_of3A_139 = tpu.assume_multiple %add3A_138, 8 : i32
    %dma_start3A_140 = arith.constant 4 : i32
    %dma_start3A_141 = arith.constant 0 : i32
    %dma_start3A_142 = tpu.memref_slice %arg6[%dma_start3A_140, %dma_start3A_141] : memref<6x104xi32, #tpu.memory_space<vmem>> -> memref<1x104xi32, #tpu.memory_space<vmem>>
    %dma_start3A_143 = tpu.memref_squeeze %dma_start3A_142 : memref<1x104xi32, #tpu.memory_space<vmem>> -> memref<104xi32, #tpu.memory_space<vmem>>
    %dma_start3A_144 = tpu.memref_slice %arg3[%multiple_of3A_132] : memref<800000xi32, #tpu.memory_space<hbm>> -> memref<104xi32, #tpu.memory_space<hbm>>
    %dma_start3A_145 = arith.constant 0 : i32
    %dma_start3A_146 = tpu.memref_slice %arg6[%dma_start3A_140, %dma_start3A_145] : memref<6x104xi32, #tpu.memory_space<vmem>> -> memref<1x104xi32, #tpu.memory_space<vmem>>
    %dma_start3A_147 = tpu.memref_squeeze %dma_start3A_146 : memref<1x104xi32, #tpu.memory_space<vmem>> -> memref<104xi32, #tpu.memory_space<vmem>>
    %dma_start3A_148 = tpu.memref_slice %arg3[%multiple_of3A_132] : memref<800000xi32, #tpu.memory_space<hbm>> -> memref<104xi32, #tpu.memory_space<hbm>>
    tpu.enqueue_dma source(%dma_start3A_148 : memref<104xi32, #tpu.memory_space<hbm>>) target(%dma_start3A_147 : memref<104xi32, #tpu.memory_space<vmem>>) target_semaphore(%arg11 : memref<!tpu.dma_semaphore, #tpu.memory_space<semaphore_mem>>)
    %dma_start3A_149 = arith.constant 4 : i32
    %dma_start3A_150 = arith.constant 0 : i32
    %dma_start3A_151 = tpu.memref_slice %arg7[%dma_start3A_149, %dma_start3A_150] : memref<6x104xi32, #tpu.memory_space<vmem>> -> memref<1x104xi32, #tpu.memory_space<vmem>>
    %dma_start3A_152 = tpu.memref_squeeze %dma_start3A_151 : memref<1x104xi32, #tpu.memory_space<vmem>> -> memref<104xi32, #tpu.memory_space<vmem>>
    %dma_start3A_153 = tpu.memref_slice %arg4[%multiple_of3A_139] : memref<800000xi32, #tpu.memory_space<hbm>> -> memref<104xi32, #tpu.memory_space<hbm>>
    %dma_start3A_154 = arith.constant 0 : i32
    %dma_start3A_155 = tpu.memref_slice %arg7[%dma_start3A_149, %dma_start3A_154] : memref<6x104xi32, #tpu.memory_space<vmem>> -> memref<1x104xi32, #tpu.memory_space<vmem>>
    %dma_start3A_156 = tpu.memref_squeeze %dma_start3A_155 : memref<1x104xi32, #tpu.memory_space<vmem>> -> memref<104xi32, #tpu.memory_space<vmem>>
    %dma_start3A_157 = tpu.memref_slice %arg4[%multiple_of3A_139] : memref<800000xi32, #tpu.memory_space<hbm>> -> memref<104xi32, #tpu.memory_space<hbm>>
    tpu.enqueue_dma source(%dma_start3A_157 : memref<104xi32, #tpu.memory_space<hbm>>) target(%dma_start3A_156 : memref<104xi32, #tpu.memory_space<vmem>>) target_semaphore(%arg11 : memref<!tpu.dma_semaphore, #tpu.memory_space<semaphore_mem>>)
    %mul3A_158 = arith.constant 25000 : i32
    %mul3A_159 = arith.muli %add3A, %mul3A_158 : i32
    %min3A_160 = arith.constant 0 : i32
    %min3A_161 = arith.constant 24896 : i32
    %min3A_162 = arith.minsi %min3A_160, %min3A_161 : i32
    %add3A_163 = arith.addi %mul3A_159, %min3A_162 : i32
    %multiple_of3A_164 = tpu.assume_multiple %add3A_163, 8 : i32
    %mul3A_165 = arith.constant 25000 : i32
    %mul3A_166 = arith.muli %add3A, %mul3A_165 : i32
    %min3A_167 = arith.constant 0 : i32
    %min3A_168 = arith.constant 24896 : i32
    %min3A_169 = arith.minsi %min3A_167, %min3A_168 : i32
    %add3A_170 = arith.addi %mul3A_166, %min3A_169 : i32
    %multiple_of3A_171 = tpu.assume_multiple %add3A_170, 8 : i32
    %dma_wait3A = arith.constant 0 : i32
    %dma_wait3A_172 = arith.constant 0 : i32
    %dma_wait3A_173 = tpu.memref_slice %arg6[%dma_wait3A, %dma_wait3A_172] : memref<6x104xi32, #tpu.memory_space<vmem>> -> memref<1x104xi32, #tpu.memory_space<vmem>>
    %dma_wait3A_174 = tpu.memref_squeeze %dma_wait3A_173 : memref<1x104xi32, #tpu.memory_space<vmem>> -> memref<104xi32, #tpu.memory_space<vmem>>
    %dma_wait3A_175 = tpu.memref_slice %arg3[%multiple_of3A_164] : memref<800000xi32, #tpu.memory_space<hbm>> -> memref<104xi32, #tpu.memory_space<hbm>>
    %dma_wait3A_176 = arith.constant 0 : i32
    %dma_wait3A_177 = tpu.memref_slice %arg6[%dma_wait3A, %dma_wait3A_176] : memref<6x104xi32, #tpu.memory_space<vmem>> -> memref<1x104xi32, #tpu.memory_space<vmem>>
    %dma_wait3A_178 = tpu.memref_squeeze %dma_wait3A_177 : memref<1x104xi32, #tpu.memory_space<vmem>> -> memref<104xi32, #tpu.memory_space<vmem>>
    %dma_wait3A_179 = tpu.memref_slice %arg3[%multiple_of3A_164] : memref<800000xi32, #tpu.memory_space<hbm>> -> memref<104xi32, #tpu.memory_space<hbm>>
    tpu.wait_dma2 semaphore(%arg11 : memref<!tpu.dma_semaphore, #tpu.memory_space<semaphore_mem>>) src(%dma_wait3A_179 : memref<104xi32, #tpu.memory_space<hbm>>) dst(%dma_wait3A_178 : memref<104xi32, #tpu.memory_space<vmem>>)
    %dma_wait3A_180 = arith.constant 0 : i32
    %dma_wait3A_181 = arith.constant 0 : i32
    %dma_wait3A_182 = tpu.memref_slice %arg7[%dma_wait3A_180, %dma_wait3A_181] : memref<6x104xi32, #tpu.memory_space<vmem>> -> memref<1x104xi32, #tpu.memory_space<vmem>>
    %dma_wait3A_183 = tpu.memref_squeeze %dma_wait3A_182 : memref<1x104xi32, #tpu.memory_space<vmem>> -> memref<104xi32, #tpu.memory_space<vmem>>
    %dma_wait3A_184 = tpu.memref_slice %arg4[%multiple_of3A_171] : memref<800000xi32, #tpu.memory_space<hbm>> -> memref<104xi32, #tpu.memory_space<hbm>>
    %dma_wait3A_185 = arith.constant 0 : i32
    %dma_wait3A_186 = tpu.memref_slice %arg7[%dma_wait3A_180, %dma_wait3A_185] : memref<6x104xi32, #tpu.memory_space<vmem>> -> memref<1x104xi32, #tpu.memory_space<vmem>>
    %dma_wait3A_187 = tpu.memref_squeeze %dma_wait3A_186 : memref<1x104xi32, #tpu.memory_space<vmem>> -> memref<104xi32, #tpu.memory_space<vmem>>
    %dma_wait3A_188 = tpu.memref_slice %arg4[%multiple_of3A_171] : memref<800000xi32, #tpu.memory_space<hbm>> -> memref<104xi32, #tpu.memory_space<hbm>>
    tpu.wait_dma2 semaphore(%arg11 : memref<!tpu.dma_semaphore, #tpu.memory_space<semaphore_mem>>) src(%dma_wait3A_188 : memref<104xi32, #tpu.memory_space<hbm>>) dst(%dma_wait3A_187 : memref<104xi32, #tpu.memory_space<vmem>>)
    %dma_start3A_189 = arith.constant 0 : i32
    %dma_start3A_190 = arith.constant 0 : i32
    %dma_start3A_191 = arith.constant 0 : i32
    %dma_start3A_192 = arith.constant 0 : i32
    %dma_start3A_193 = tpu.memref_slice %arg8[%dma_start3A_190, %dma_start3A_191, %dma_start3A_192] : memref<3x104x128xf32, #tpu.memory_space<vmem>> -> memref<1x104x128xf32, #tpu.memory_space<vmem>>
    %dma_start3A_194 = tpu.memref_squeeze %dma_start3A_193 : memref<1x104x128xf32, #tpu.memory_space<vmem>> -> memref<104x128xf32, #tpu.memory_space<vmem>>
    %dma_start3A_195 = arith.constant 0 : i32
    %dma_start3A_196 = tpu.memref_slice %arg6[%dma_start3A_189, %dma_start3A_195] : memref<6x104xi32, #tpu.memory_space<vmem>> -> memref<1x104xi32, #tpu.memory_space<vmem>>
    %dma_start3A_197 = tpu.memref_squeeze %dma_start3A_196 : memref<1x104xi32, #tpu.memory_space<vmem>> -> memref<104xi32, #tpu.memory_space<vmem>>
    %dma_start3A_198 = arith.constant 0 : i32
    %dma_start3A_199 = arith.constant 0 : i32
    %dma_start3A_200 = tpu.memref_slice %arg2[%dma_start3A_198, %dma_start3A_199] : memref<800000x128xf32, #tpu.memory_space<hbm>> -> memref<800000x128xf32, #tpu.memory_space<hbm>>
    tpu.enqueue_indirect_dma source(%dma_start3A_200 : memref<800000x128xf32, #tpu.memory_space<hbm>>) target(%dma_start3A_194 : memref<104x128xf32, #tpu.memory_space<vmem>>) offsets(%dma_start3A_197 : memref<104xi32, #tpu.memory_space<vmem>>) semaphore(%arg12 : memref<!tpu.dma_semaphore, #tpu.memory_space<semaphore_mem>>)
    %dma_start3A_201 = arith.constant 0 : i32
    %dma_start3A_202 = arith.constant 0 : i32
    %dma_start3A_203 = arith.constant 0 : i32
    %dma_start3A_204 = arith.constant 0 : i32
    %dma_start3A_205 = tpu.memref_slice %arg9[%dma_start3A_202, %dma_start3A_203, %dma_start3A_204] : memref<3x104x128xf32, #tpu.memory_space<vmem>> -> memref<1x104x128xf32, #tpu.memory_space<vmem>>
    %dma_start3A_206 = tpu.memref_squeeze %dma_start3A_205 : memref<1x104x128xf32, #tpu.memory_space<vmem>> -> memref<104x128xf32, #tpu.memory_space<vmem>>
    %dma_start3A_207 = arith.constant 0 : i32
    %dma_start3A_208 = tpu.memref_slice %arg7[%dma_start3A_201, %dma_start3A_207] : memref<6x104xi32, #tpu.memory_space<vmem>> -> memref<1x104xi32, #tpu.memory_space<vmem>>
    %dma_start3A_209 = tpu.memref_squeeze %dma_start3A_208 : memref<1x104xi32, #tpu.memory_space<vmem>> -> memref<104xi32, #tpu.memory_space<vmem>>
    %dma_start3A_210 = arith.constant 0 : i32
    %dma_start3A_211 = arith.constant 0 : i32
    %dma_start3A_212 = tpu.memref_slice %arg2[%dma_start3A_210, %dma_start3A_211] : memref<800000x128xf32, #tpu.memory_space<hbm>> -> memref<800000x128xf32, #tpu.memory_space<hbm>>
    tpu.enqueue_indirect_dma source(%dma_start3A_212 : memref<800000x128xf32, #tpu.memory_space<hbm>>) target(%dma_start3A_206 : memref<104x128xf32, #tpu.memory_space<vmem>>) offsets(%dma_start3A_209 : memref<104xi32, #tpu.memory_space<vmem>>) semaphore(%arg13 : memref<!tpu.dma_semaphore, #tpu.memory_space<semaphore_mem>>)
    %mul3A_213 = arith.constant 25000 : i32
    %mul3A_214 = arith.muli %add3A, %mul3A_213 : i32
    %min3A_215 = arith.constant 104 : i32
    %min3A_216 = arith.constant 24896 : i32
    %min3A_217 = arith.minsi %min3A_215, %min3A_216 : i32
    %add3A_218 = arith.addi %mul3A_214, %min3A_217 : i32
    %multiple_of3A_219 = tpu.assume_multiple %add3A_218, 8 : i32
    %mul3A_220 = arith.constant 25000 : i32
    %mul3A_221 = arith.muli %add3A, %mul3A_220 : i32
    %min3A_222 = arith.constant 104 : i32
    %min3A_223 = arith.constant 24896 : i32
    %min3A_224 = arith.minsi %min3A_222, %min3A_223 : i32
    %add3A_225 = arith.addi %mul3A_221, %min3A_224 : i32
    %multiple_of3A_226 = tpu.assume_multiple %add3A_225, 8 : i32
    %dma_wait3A_227 = arith.constant 1 : i32
    %dma_wait3A_228 = arith.constant 0 : i32
    %dma_wait3A_229 = tpu.memref_slice %arg6[%dma_wait3A_227, %dma_wait3A_228] : memref<6x104xi32, #tpu.memory_space<vmem>> -> memref<1x104xi32, #tpu.memory_space<vmem>>
    %dma_wait3A_230 = tpu.memref_squeeze %dma_wait3A_229 : memref<1x104xi32, #tpu.memory_space<vmem>> -> memref<104xi32, #tpu.memory_space<vmem>>
    %dma_wait3A_231 = tpu.memref_slice %arg3[%multiple_of3A_219] : memref<800000xi32, #tpu.memory_space<hbm>> -> memref<104xi32, #tpu.memory_space<hbm>>
    %dma_wait3A_232 = arith.constant 0 : i32
    %dma_wait3A_233 = tpu.memref_slice %arg6[%dma_wait3A_227, %dma_wait3A_232] : memref<6x104xi32, #tpu.memory_space<vmem>> -> memref<1x104xi32, #tpu.memory_space<vmem>>
    %dma_wait3A_234 = tpu.memref_squeeze %dma_wait3A_233 : memref<1x104xi32, #tpu.memory_space<vmem>> -> memref<104xi32, #tpu.memory_space<vmem>>
    %dma_wait3A_235 = tpu.memref_slice %arg3[%multiple_of3A_219] : memref<800000xi32, #tpu.memory_space<hbm>> -> memref<104xi32, #tpu.memory_space<hbm>>
    tpu.wait_dma2 semaphore(%arg11 : memref<!tpu.dma_semaphore, #tpu.memory_space<semaphore_mem>>) src(%dma_wait3A_235 : memref<104xi32, #tpu.memory_space<hbm>>) dst(%dma_wait3A_234 : memref<104xi32, #tpu.memory_space<vmem>>)
    %dma_wait3A_236 = arith.constant 1 : i32
    %dma_wait3A_237 = arith.constant 0 : i32
    %dma_wait3A_238 = tpu.memref_slice %arg7[%dma_wait3A_236, %dma_wait3A_237] : memref<6x104xi32, #tpu.memory_space<vmem>> -> memref<1x104xi32, #tpu.memory_space<vmem>>
    %dma_wait3A_239 = tpu.memref_squeeze %dma_wait3A_238 : memref<1x104xi32, #tpu.memory_space<vmem>> -> memref<104xi32, #tpu.memory_space<vmem>>
    %dma_wait3A_240 = tpu.memref_slice %arg4[%multiple_of3A_226] : memref<800000xi32, #tpu.memory_space<hbm>> -> memref<104xi32, #tpu.memory_space<hbm>>
    %dma_wait3A_241 = arith.constant 0 : i32
    %dma_wait3A_242 = tpu.memref_slice %arg7[%dma_wait3A_236, %dma_wait3A_241] : memref<6x104xi32, #tpu.memory_space<vmem>> -> memref<1x104xi32, #tpu.memory_space<vmem>>
    %dma_wait3A_243 = tpu.memref_squeeze %dma_wait3A_242 : memref<1x104xi32, #tpu.memory_space<vmem>> -> memref<104xi32, #tpu.memory_space<vmem>>
    %dma_wait3A_244 = tpu.memref_slice %arg4[%multiple_of3A_226] : memref<800000xi32, #tpu.memory_space<hbm>> -> memref<104xi32, #tpu.memory_space<hbm>>
    tpu.wait_dma2 semaphore(%arg11 : memref<!tpu.dma_semaphore, #tpu.memory_space<semaphore_mem>>) src(%dma_wait3A_244 : memref<104xi32, #tpu.memory_space<hbm>>) dst(%dma_wait3A_243 : memref<104xi32, #tpu.memory_space<vmem>>)
    %dma_start3A_245 = arith.constant 1 : i32
    %dma_start3A_246 = arith.constant 1 : i32
    %dma_start3A_247 = arith.constant 0 : i32
    %dma_start3A_248 = arith.constant 0 : i32
    %dma_start3A_249 = tpu.memref_slice %arg8[%dma_start3A_246, %dma_start3A_247, %dma_start3A_248] : memref<3x104x128xf32, #tpu.memory_space<vmem>> -> memref<1x104x128xf32, #tpu.memory_space<vmem>>
    %dma_start3A_250 = tpu.memref_squeeze %dma_start3A_249 : memref<1x104x128xf32, #tpu.memory_space<vmem>> -> memref<104x128xf32, #tpu.memory_space<vmem>>
    %dma_start3A_251 = arith.constant 0 : i32
    %dma_start3A_252 = tpu.memref_slice %arg6[%dma_start3A_245, %dma_start3A_251] : memref<6x104xi32, #tpu.memory_space<vmem>> -> memref<1x104xi32, #tpu.memory_space<vmem>>
    %dma_start3A_253 = tpu.memref_squeeze %dma_start3A_252 : memref<1x104xi32, #tpu.memory_space<vmem>> -> memref<104xi32, #tpu.memory_space<vmem>>
    %dma_start3A_254 = arith.constant 0 : i32
    %dma_start3A_255 = arith.constant 0 : i32
    %dma_start3A_256 = tpu.memref_slice %arg2[%dma_start3A_254, %dma_start3A_255] : memref<800000x128xf32, #tpu.memory_space<hbm>> -> memref<800000x128xf32, #tpu.memory_space<hbm>>
    tpu.enqueue_indirect_dma source(%dma_start3A_256 : memref<800000x128xf32, #tpu.memory_space<hbm>>) target(%dma_start3A_250 : memref<104x128xf32, #tpu.memory_space<vmem>>) offsets(%dma_start3A_253 : memref<104xi32, #tpu.memory_space<vmem>>) semaphore(%arg12 : memref<!tpu.dma_semaphore, #tpu.memory_space<semaphore_mem>>)
    %dma_start3A_257 = arith.constant 1 : i32
    %dma_start3A_258 = arith.constant 1 : i32
    %dma_start3A_259 = arith.constant 0 : i32
    %dma_start3A_260 = arith.constant 0 : i32
    %dma_start3A_261 = tpu.memref_slice %arg9[%dma_start3A_258, %dma_start3A_259, %dma_start3A_260] : memref<3x104x128xf32, #tpu.memory_space<vmem>> -> memref<1x104x128xf32, #tpu.memory_space<vmem>>
    %dma_start3A_262 = tpu.memref_squeeze %dma_start3A_261 : memref<1x104x128xf32, #tpu.memory_space<vmem>> -> memref<104x128xf32, #tpu.memory_space<vmem>>
    %dma_start3A_263 = arith.constant 0 : i32
    %dma_start3A_264 = tpu.memref_slice %arg7[%dma_start3A_257, %dma_start3A_263] : memref<6x104xi32, #tpu.memory_space<vmem>> -> memref<1x104xi32, #tpu.memory_space<vmem>>
    %dma_start3A_265 = tpu.memref_squeeze %dma_start3A_264 : memref<1x104xi32, #tpu.memory_space<vmem>> -> memref<104xi32, #tpu.memory_space<vmem>>
    %dma_start3A_266 = arith.constant 0 : i32
    %dma_start3A_267 = arith.constant 0 : i32
    %dma_start3A_268 = tpu.memref_slice %arg2[%dma_start3A_266, %dma_start3A_267] : memref<800000x128xf32, #tpu.memory_space<hbm>> -> memref<800000x128xf32, #tpu.memory_space<hbm>>
    tpu.enqueue_indirect_dma source(%dma_start3A_268 : memref<800000x128xf32, #tpu.memory_space<hbm>>) target(%dma_start3A_262 : memref<104x128xf32, #tpu.memory_space<vmem>>) offsets(%dma_start3A_265 : memref<104xi32, #tpu.memory_space<vmem>>) semaphore(%arg13 : memref<!tpu.dma_semaphore, #tpu.memory_space<semaphore_mem>>)
    %mul3A_269 = arith.constant 25000 : i32
    %mul3A_270 = arith.muli %add3A, %mul3A_269 : i32
    %min3A_271 = arith.constant 208 : i32
    %min3A_272 = arith.constant 24896 : i32
    %min3A_273 = arith.minsi %min3A_271, %min3A_272 : i32
    %add3A_274 = arith.addi %mul3A_270, %min3A_273 : i32
    %multiple_of3A_275 = tpu.assume_multiple %add3A_274, 8 : i32
    %mul3A_276 = arith.constant 25000 : i32
    %mul3A_277 = arith.muli %add3A, %mul3A_276 : i32
    %min3A_278 = arith.constant 208 : i32
    %min3A_279 = arith.constant 24896 : i32
    %min3A_280 = arith.minsi %min3A_278, %min3A_279 : i32
    %add3A_281 = arith.addi %mul3A_277, %min3A_280 : i32
    %multiple_of3A_282 = tpu.assume_multiple %add3A_281, 8 : i32
    %dma_wait3A_283 = arith.constant 2 : i32
    %dma_wait3A_284 = arith.constant 0 : i32
    %dma_wait3A_285 = tpu.memref_slice %arg6[%dma_wait3A_283, %dma_wait3A_284] : memref<6x104xi32, #tpu.memory_space<vmem>> -> memref<1x104xi32, #tpu.memory_space<vmem>>
    %dma_wait3A_286 = tpu.memref_squeeze %dma_wait3A_285 : memref<1x104xi32, #tpu.memory_space<vmem>> -> memref<104xi32, #tpu.memory_space<vmem>>
    %dma_wait3A_287 = tpu.memref_slice %arg3[%multiple_of3A_275] : memref<800000xi32, #tpu.memory_space<hbm>> -> memref<104xi32, #tpu.memory_space<hbm>>
    %dma_wait3A_288 = arith.constant 0 : i32
    %dma_wait3A_289 = tpu.memref_slice %arg6[%dma_wait3A_283, %dma_wait3A_288] : memref<6x104xi32, #tpu.memory_space<vmem>> -> memref<1x104xi32, #tpu.memory_space<vmem>>
    %dma_wait3A_290 = tpu.memref_squeeze %dma_wait3A_289 : memref<1x104xi32, #tpu.memory_space<vmem>> -> memref<104xi32, #tpu.memory_space<vmem>>
    %dma_wait3A_291 = tpu.memref_slice %arg3[%multiple_of3A_275] : memref<800000xi32, #tpu.memory_space<hbm>> -> memref<104xi32, #tpu.memory_space<hbm>>
    tpu.wait_dma2 semaphore(%arg11 : memref<!tpu.dma_semaphore, #tpu.memory_space<semaphore_mem>>) src(%dma_wait3A_291 : memref<104xi32, #tpu.memory_space<hbm>>) dst(%dma_wait3A_290 : memref<104xi32, #tpu.memory_space<vmem>>)
    %dma_wait3A_292 = arith.constant 2 : i32
    %dma_wait3A_293 = arith.constant 0 : i32
    %dma_wait3A_294 = tpu.memref_slice %arg7[%dma_wait3A_292, %dma_wait3A_293] : memref<6x104xi32, #tpu.memory_space<vmem>> -> memref<1x104xi32, #tpu.memory_space<vmem>>
    %dma_wait3A_295 = tpu.memref_squeeze %dma_wait3A_294 : memref<1x104xi32, #tpu.memory_space<vmem>> -> memref<104xi32, #tpu.memory_space<vmem>>
    %dma_wait3A_296 = tpu.memref_slice %arg4[%multiple_of3A_282] : memref<800000xi32, #tpu.memory_space<hbm>> -> memref<104xi32, #tpu.memory_space<hbm>>
    %dma_wait3A_297 = arith.constant 0 : i32
    %dma_wait3A_298 = tpu.memref_slice %arg7[%dma_wait3A_292, %dma_wait3A_297] : memref<6x104xi32, #tpu.memory_space<vmem>> -> memref<1x104xi32, #tpu.memory_space<vmem>>
    %dma_wait3A_299 = tpu.memref_squeeze %dma_wait3A_298 : memref<1x104xi32, #tpu.memory_space<vmem>> -> memref<104xi32, #tpu.memory_space<vmem>>
    %dma_wait3A_300 = tpu.memref_slice %arg4[%multiple_of3A_282] : memref<800000xi32, #tpu.memory_space<hbm>> -> memref<104xi32, #tpu.memory_space<hbm>>
    tpu.wait_dma2 semaphore(%arg11 : memref<!tpu.dma_semaphore, #tpu.memory_space<semaphore_mem>>) src(%dma_wait3A_300 : memref<104xi32, #tpu.memory_space<hbm>>) dst(%dma_wait3A_299 : memref<104xi32, #tpu.memory_space<vmem>>)
    %dma_start3A_301 = arith.constant 2 : i32
    %dma_start3A_302 = arith.constant 2 : i32
    %dma_start3A_303 = arith.constant 0 : i32
    %dma_start3A_304 = arith.constant 0 : i32
    %dma_start3A_305 = tpu.memref_slice %arg8[%dma_start3A_302, %dma_start3A_303, %dma_start3A_304] : memref<3x104x128xf32, #tpu.memory_space<vmem>> -> memref<1x104x128xf32, #tpu.memory_space<vmem>>
    %dma_start3A_306 = tpu.memref_squeeze %dma_start3A_305 : memref<1x104x128xf32, #tpu.memory_space<vmem>> -> memref<104x128xf32, #tpu.memory_space<vmem>>
    %dma_start3A_307 = arith.constant 0 : i32
    %dma_start3A_308 = tpu.memref_slice %arg6[%dma_start3A_301, %dma_start3A_307] : memref<6x104xi32, #tpu.memory_space<vmem>> -> memref<1x104xi32, #tpu.memory_space<vmem>>
    %dma_start3A_309 = tpu.memref_squeeze %dma_start3A_308 : memref<1x104xi32, #tpu.memory_space<vmem>> -> memref<104xi32, #tpu.memory_space<vmem>>
    %dma_start3A_310 = arith.constant 0 : i32
    %dma_start3A_311 = arith.constant 0 : i32
    %dma_start3A_312 = tpu.memref_slice %arg2[%dma_start3A_310, %dma_start3A_311] : memref<800000x128xf32, #tpu.memory_space<hbm>> -> memref<800000x128xf32, #tpu.memory_space<hbm>>
    tpu.enqueue_indirect_dma source(%dma_start3A_312 : memref<800000x128xf32, #tpu.memory_space<hbm>>) target(%dma_start3A_306 : memref<104x128xf32, #tpu.memory_space<vmem>>) offsets(%dma_start3A_309 : memref<104xi32, #tpu.memory_space<vmem>>) semaphore(%arg12 : memref<!tpu.dma_semaphore, #tpu.memory_space<semaphore_mem>>)
    %dma_start3A_313 = arith.constant 2 : i32
    %dma_start3A_314 = arith.constant 2 : i32
    %dma_start3A_315 = arith.constant 0 : i32
    %dma_start3A_316 = arith.constant 0 : i32
    %dma_start3A_317 = tpu.memref_slice %arg9[%dma_start3A_314, %dma_start3A_315, %dma_start3A_316] : memref<3x104x128xf32, #tpu.memory_space<vmem>> -> memref<1x104x128xf32, #tpu.memory_space<vmem>>
    %dma_start3A_318 = tpu.memref_squeeze %dma_start3A_317 : memref<1x104x128xf32, #tpu.memory_space<vmem>> -> memref<104x128xf32, #tpu.memory_space<vmem>>
    %dma_start3A_319 = arith.constant 0 : i32
    %dma_start3A_320 = tpu.memref_slice %arg7[%dma_start3A_313, %dma_start3A_319] : memref<6x104xi32, #tpu.memory_space<vmem>> -> memref<1x104xi32, #tpu.memory_space<vmem>>
    %dma_start3A_321 = tpu.memref_squeeze %dma_start3A_320 : memref<1x104xi32, #tpu.memory_space<vmem>> -> memref<104xi32, #tpu.memory_space<vmem>>
    %dma_start3A_322 = arith.constant 0 : i32
    %dma_start3A_323 = arith.constant 0 : i32
    %dma_start3A_324 = tpu.memref_slice %arg2[%dma_start3A_322, %dma_start3A_323] : memref<800000x128xf32, #tpu.memory_space<hbm>> -> memref<800000x128xf32, #tpu.memory_space<hbm>>
    tpu.enqueue_indirect_dma source(%dma_start3A_324 : memref<800000x128xf32, #tpu.memory_space<hbm>>) target(%dma_start3A_318 : memref<104x128xf32, #tpu.memory_space<vmem>>) offsets(%dma_start3A_321 : memref<104xi32, #tpu.memory_space<vmem>>) semaphore(%arg13 : memref<!tpu.dma_semaphore, #tpu.memory_space<semaphore_mem>>)
    %scan3A = arith.constant 0 : i32
    %scan3A_325 = arith.constant 0 : i32
    %scan3A_326 = arith.constant 81 : i32
    %scan3A_327 = arith.addi %scan3A_325, %scan3A_326 : i32
    %scan3A_328 = arith.constant 1 : i32
    scf.for %scan3A_390 = %scan3A_325 to %scan3A_327 step %scan3A_328  : i32 {
      %mul3A_391 = arith.constant 3 : i32
      %mul3A_392 = arith.muli %mul3A_391, %scan3A_390 : i32
      %add3A_393 = arith.constant 0 : i32
      %add3A_394 = arith.addi %mul3A_392, %add3A_393 : i32
      %dma_wait3A_395 = arith.constant 0 : i32
      %dma_wait3A_396 = arith.constant 0 : i32
      %dma_wait3A_397 = arith.constant 0 : i32
      %dma_wait3A_398 = arith.constant 0 : i32
      %dma_wait3A_399 = tpu.memref_slice %arg8[%dma_wait3A_396, %dma_wait3A_397, %dma_wait3A_398] : memref<3x104x128xf32, #tpu.memory_space<vmem>> -> memref<1x104x128xf32, #tpu.memory_space<vmem>>
      %dma_wait3A_400 = tpu.memref_squeeze %dma_wait3A_399 : memref<1x104x128xf32, #tpu.memory_space<vmem>> -> memref<104x128xf32, #tpu.memory_space<vmem>>
      %dma_wait3A_401 = arith.constant 0 : i32
      %dma_wait3A_402 = tpu.memref_slice %arg6[%dma_wait3A_395, %dma_wait3A_401] : memref<6x104xi32, #tpu.memory_space<vmem>> -> memref<1x104xi32, #tpu.memory_space<vmem>>
      %dma_wait3A_403 = tpu.memref_squeeze %dma_wait3A_402 : memref<1x104xi32, #tpu.memory_space<vmem>> -> memref<104xi32, #tpu.memory_space<vmem>>
      %dma_wait3A_404 = arith.constant 0 : i32
      %dma_wait3A_405 = arith.constant 0 : i32
      %dma_wait3A_406 = tpu.memref_slice %arg2[%dma_wait3A_404, %dma_wait3A_405] : memref<800000x128xf32, #tpu.memory_space<hbm>> -> memref<800000x128xf32, #tpu.memory_space<hbm>>
      tpu.wait_indirect_dma semaphore(%arg12 : memref<!tpu.dma_semaphore, #tpu.memory_space<semaphore_mem>>) src(%dma_wait3A_406 : memref<800000x128xf32, #tpu.memory_space<hbm>>) dst(%dma_wait3A_400 : memref<104x128xf32, #tpu.memory_space<vmem>>)
      %dma_wait3A_407 = arith.constant 0 : i32
      %dma_wait3A_408 = arith.constant 0 : i32
      %dma_wait3A_409 = arith.constant 0 : i32
      %dma_wait3A_410 = arith.constant 0 : i32
      %dma_wait3A_411 = tpu.memref_slice %arg9[%dma_wait3A_408, %dma_wait3A_409, %dma_wait3A_410] : memref<3x104x128xf32, #tpu.memory_space<vmem>> -> memref<1x104x128xf32, #tpu.memory_space<vmem>>
      %dma_wait3A_412 = tpu.memref_squeeze %dma_wait3A_411 : memref<1x104x128xf32, #tpu.memory_space<vmem>> -> memref<104x128xf32, #tpu.memory_space<vmem>>
      %dma_wait3A_413 = arith.constant 0 : i32
      %dma_wait3A_414 = tpu.memref_slice %arg7[%dma_wait3A_407, %dma_wait3A_413] : memref<6x104xi32, #tpu.memory_space<vmem>> -> memref<1x104xi32, #tpu.memory_space<vmem>>
      %dma_wait3A_415 = tpu.memref_squeeze %dma_wait3A_414 : memref<1x104xi32, #tpu.memory_space<vmem>> -> memref<104xi32, #tpu.memory_space<vmem>>
      %dma_wait3A_416 = arith.constant 0 : i32
      %dma_wait3A_417 = arith.constant 0 : i32
      %dma_wait3A_418 = tpu.memref_slice %arg2[%dma_wait3A_416, %dma_wait3A_417] : memref<800000x128xf32, #tpu.memory_space<hbm>> -> memref<800000x128xf32, #tpu.memory_space<hbm>>
      tpu.wait_indirect_dma semaphore(%arg13 : memref<!tpu.dma_semaphore, #tpu.memory_space<semaphore_mem>>) src(%dma_wait3A_418 : memref<800000x128xf32, #tpu.memory_space<hbm>>) dst(%dma_wait3A_412 : memref<104x128xf32, #tpu.memory_space<vmem>>)
      %add3A_419 = arith.constant 6 : i32
      %add3A_420 = arith.addi %add3A_394, %add3A_419 : i32
      %sub3A = arith.constant 1 : i32
      %sub3A_421 = arith.subi %add3A_420, %sub3A : i32
      %lt3A = arith.constant 243 : i32
      %lt3A_422 = arith.cmpi slt, %sub3A_421, %lt3A : i32
      %convert_element_type3A = arith.extui %lt3A_422 : i1 to i32
      %cond3A = arith.constant 0 : i32
      %cond3A_423 = arith.cmpi ne, %convert_element_type3A, %cond3A : i32
      scf.if %cond3A_423 {
        %add3A_614 = arith.constant 6 : i32
        %add3A_615 = arith.addi %add3A_394, %add3A_614 : i32
        %sub3A_616 = arith.constant 1 : i32
        %sub3A_617 = arith.subi %add3A_615, %sub3A_616 : i32
        %add3A_618 = arith.constant 6 : i32
        %add3A_619 = arith.addi %add3A_394, %add3A_618 : i32
        %sub3A_620 = arith.constant 1 : i32
        %sub3A_621 = arith.subi %add3A_619, %sub3A_620 : i32
        %jit3A = arith.constant 6 : i32
        %eq3A = arith.constant 0 : i32
        %eq3A_622 = arith.cmpi eq, %jit3A, %eq3A : i32
        %jit3A_623 = arith.constant 1 : i32
        %select_n3A = arith.select %eq3A_622, %jit3A_623, %jit3A : i32
        %rem3A = arith.remsi %sub3A_621, %select_n3A : i32
        %ne3A = arith.constant 0 : i32
        %ne3A_624 = arith.cmpi ne, %rem3A, %ne3A : i32
        %lt3A_625 = arith.constant 0 : i32
        %lt3A_626 = arith.cmpi slt, %rem3A, %lt3A_625 : i32
        %lt3A_627 = arith.constant 0 : i32
        %lt3A_628 = arith.cmpi slt, %select_n3A, %lt3A_627 : i32
        %ne3A_629 = arith.xori %lt3A_626, %lt3A_628 : i1
        %and3A = arith.andi %ne3A_629, %ne3A_624 : i1
        %add3A_630 = arith.addi %rem3A, %select_n3A : i32
        %select_n3A_631 = arith.select %and3A, %add3A_630, %rem3A : i32
        %mul3A_632 = arith.constant 25000 : i32
        %mul3A_633 = arith.muli %add3A, %mul3A_632 : i32
        %mul3A_634 = arith.constant 104 : i32
        %mul3A_635 = arith.muli %sub3A_617, %mul3A_634 : i32
        %min3A_636 = arith.constant 24896 : i32
        %min3A_637 = arith.minsi %mul3A_635, %min3A_636 : i32
        %add3A_638 = arith.addi %mul3A_633, %min3A_637 : i32
        %multiple_of3A_639 = tpu.assume_multiple %add3A_638, 8 : i32
        %mul3A_640 = arith.constant 25000 : i32
        %mul3A_641 = arith.muli %add3A, %mul3A_640 : i32
        %mul3A_642 = arith.constant 104 : i32
        %mul3A_643 = arith.muli %sub3A_617, %mul3A_642 : i32
        %min3A_644 = arith.constant 24896 : i32
        %min3A_645 = arith.minsi %mul3A_643, %min3A_644 : i32
        %add3A_646 = arith.addi %mul3A_641, %min3A_645 : i32
        %multiple_of3A_647 = tpu.assume_multiple %add3A_646, 8 : i32
        %dma_start3A_648 = arith.constant 0 : i32
        %dma_start3A_649 = tpu.memref_slice %arg6[%select_n3A_631, %dma_start3A_648] : memref<6x104xi32, #tpu.memory_space<vmem>> -> memref<1x104xi32, #tpu.memory_space<vmem>>
        %dma_start3A_650 = tpu.memref_squeeze %dma_start3A_649 : memref<1x104xi32, #tpu.memory_space<vmem>> -> memref<104xi32, #tpu.memory_space<vmem>>
        %dma_start3A_651 = tpu.memref_slice %arg3[%multiple_of3A_639] : memref<800000xi32, #tpu.memory_space<hbm>> -> memref<104xi32, #tpu.memory_space<hbm>>
        %dma_start3A_652 = arith.constant 0 : i32
        %dma_start3A_653 = tpu.memref_slice %arg6[%select_n3A_631, %dma_start3A_652] : memref<6x104xi32, #tpu.memory_space<vmem>> -> memref<1x104xi32, #tpu.memory_space<vmem>>
        %dma_start3A_654 = tpu.memref_squeeze %dma_start3A_653 : memref<1x104xi32, #tpu.memory_space<vmem>> -> memref<104xi32, #tpu.memory_space<vmem>>
        %dma_start3A_655 = tpu.memref_slice %arg3[%multiple_of3A_639] : memref<800000xi32, #tpu.memory_space<hbm>> -> memref<104xi32, #tpu.memory_space<hbm>>
        tpu.enqueue_dma source(%dma_start3A_655 : memref<104xi32, #tpu.memory_space<hbm>>) target(%dma_start3A_654 : memref<104xi32, #tpu.memory_space<vmem>>) target_semaphore(%arg11 : memref<!tpu.dma_semaphore, #tpu.memory_space<semaphore_mem>>)
        %dma_start3A_656 = arith.constant 0 : i32
        %dma_start3A_657 = tpu.memref_slice %arg7[%select_n3A_631, %dma_start3A_656] : memref<6x104xi32, #tpu.memory_space<vmem>> -> memref<1x104xi32, #tpu.memory_space<vmem>>
        %dma_start3A_658 = tpu.memref_squeeze %dma_start3A_657 : memref<1x104xi32, #tpu.memory_space<vmem>> -> memref<104xi32, #tpu.memory_space<vmem>>
        %dma_start3A_659 = tpu.memref_slice %arg4[%multiple_of3A_647] : memref<800000xi32, #tpu.memory_space<hbm>> -> memref<104xi32, #tpu.memory_space<hbm>>
        %dma_start3A_660 = arith.constant 0 : i32
        %dma_start3A_661 = tpu.memref_slice %arg7[%select_n3A_631, %dma_start3A_660] : memref<6x104xi32, #tpu.memory_space<vmem>> -> memref<1x104xi32, #tpu.memory_space<vmem>>
        %dma_start3A_662 = tpu.memref_squeeze %dma_start3A_661 : memref<1x104xi32, #tpu.memory_space<vmem>> -> memref<104xi32, #tpu.memory_space<vmem>>
        %dma_start3A_663 = tpu.memref_slice %arg4[%multiple_of3A_647] : memref<800000xi32, #tpu.memory_space<hbm>> -> memref<104xi32, #tpu.memory_space<hbm>>
        tpu.enqueue_dma source(%dma_start3A_663 : memref<104xi32, #tpu.memory_space<hbm>>) target(%dma_start3A_662 : memref<104xi32, #tpu.memory_space<vmem>>) target_semaphore(%arg11 : memref<!tpu.dma_semaphore, #tpu.memory_space<semaphore_mem>>)
      } else {
      }
      %ge3A = arith.constant 3 : i32
      %ge3A_424 = arith.cmpi sge, %add3A_394, %ge3A : i32
      %convert_element_type3A_425 = arith.extui %ge3A_424 : i1 to i32
      %cond3A_426 = arith.constant 0 : i32
      %cond3A_427 = arith.cmpi ne, %convert_element_type3A_425, %cond3A_426 : i32
      scf.if %cond3A_427 {
        %sub3A_614 = arith.constant 3 : i32
        %sub3A_615 = arith.subi %add3A_394, %sub3A_614 : i32
        %mul3A_616 = arith.constant 25000 : i32
        %mul3A_617 = arith.muli %add3A, %mul3A_616 : i32
        %mul3A_618 = arith.constant 104 : i32
        %mul3A_619 = arith.muli %sub3A_615, %mul3A_618 : i32
        %min3A_620 = arith.constant 24896 : i32
        %min3A_621 = arith.minsi %mul3A_619, %min3A_620 : i32
        %add3A_622 = arith.addi %mul3A_617, %min3A_621 : i32
        %multiple_of3A_623 = tpu.assume_multiple %add3A_622, 8 : i32
        %dma_wait3A_624 = arith.constant 0 : i32
        %dma_wait3A_625 = arith.constant 0 : i32
        %dma_wait3A_626 = arith.constant 0 : i32
        %dma_wait3A_627 = tpu.memref_slice %arg10[%dma_wait3A_624, %dma_wait3A_625, %dma_wait3A_626] : memref<3x104x64xf32, #tpu.memory_space<vmem>> -> memref<1x104x64xf32, #tpu.memory_space<vmem>>
        %dma_wait3A_628 = tpu.memref_squeeze %dma_wait3A_627 : memref<1x104x64xf32, #tpu.memory_space<vmem>> -> memref<104x64xf32, #tpu.memory_space<vmem>>
        %dma_wait3A_629 = arith.constant 0 : i32
        %dma_wait3A_630 = tpu.memref_slice %arg5[%multiple_of3A_623, %dma_wait3A_629] : memref<800000x64xf32, #tpu.memory_space<hbm>> -> memref<104x64xf32, #tpu.memory_space<hbm>>
        %dma_wait3A_631 = arith.constant 0 : i32
        %dma_wait3A_632 = tpu.memref_slice %arg5[%multiple_of3A_623, %dma_wait3A_631] : memref<800000x64xf32, #tpu.memory_space<hbm>> -> memref<104x64xf32, #tpu.memory_space<hbm>>
        %dma_wait3A_633 = arith.constant 0 : i32
        %dma_wait3A_634 = arith.constant 0 : i32
        %dma_wait3A_635 = tpu.memref_slice %arg10[%dma_wait3A_624, %dma_wait3A_633, %dma_wait3A_634] : memref<3x104x64xf32, #tpu.memory_space<vmem>> -> memref<1x104x64xf32, #tpu.memory_space<vmem>>
        %dma_wait3A_636 = tpu.memref_squeeze %dma_wait3A_635 : memref<1x104x64xf32, #tpu.memory_space<vmem>> -> memref<104x64xf32, #tpu.memory_space<vmem>>
        tpu.wait_dma2 semaphore(%arg14 : memref<!tpu.dma_semaphore, #tpu.memory_space<semaphore_mem>>) src(%dma_wait3A_636 : memref<104x64xf32, #tpu.memory_space<vmem>>) dst(%dma_wait3A_632 : memref<104x64xf32, #tpu.memory_space<hbm>>)
      } else {
      }
      %scan3A_428 = arith.constant 0 : i32
      %scan3A_429 = arith.constant 0 : i32
      %scan3A_430 = arith.constant 104 : i32
      %scan3A_431 = arith.addi %scan3A_429, %scan3A_430 : i32
      %scan3A_432 = arith.constant 1 : i32
      scf.for %scan3A_614 = %scan3A_429 to %scan3A_431 step %scan3A_432  : i32 {
        %get3A = arith.constant 0 : i32
        %get3A_615 = arith.index_cast %get3A : i32 to index
        %get3A_616 = arith.index_cast %scan3A_614 : i32 to index
        %get3A_617 = arith.constant 0 : index
        %get3A_618 = tpu.vector_load %arg8[%get3A_615, %get3A_616, %get3A_617] {strides = array<i32>} : memref<3x104x128xf32, #tpu.memory_space<vmem>>, vector<1x1x16xf32>,
        %get3A_619 = vector.shape_cast %get3A_618 : vector<1x1x16xf32> to vector<16xf32>
        %get3A_620 = arith.constant 0 : i32
        %get3A_621 = arith.index_cast %get3A_620 : i32 to index
        %get3A_622 = arith.index_cast %scan3A_614 : i32 to index
        %get3A_623 = arith.constant 64 : index
        %get3A_624 = tpu.vector_load %arg9[%get3A_621, %get3A_622, %get3A_623] {strides = array<i32>} : memref<3x104x128xf32, #tpu.memory_space<vmem>>, vector<1x1x16xf32>,
        %get3A_625 = vector.shape_cast %get3A_624 : vector<1x1x16xf32> to vector<16xf32>
        %add3A_626 = arith.addf %get3A_619, %get3A_625 : vector<16xf32>
        %swap3A = arith.constant 0 : i32
        %swap3A_627 = arith.index_cast %swap3A : i32 to index
        %swap3A_628 = arith.index_cast %scan3A_614 : i32 to index
        %swap3A_629 = arith.constant 0 : index
        %swap3A_630 = tpu.vector_load %arg10[%swap3A_627, %swap3A_628, %swap3A_629] {strides = array<i32>} : memref<3x104x64xf32, #tpu.memory_space<vmem>>, vector<1x1x16xf32>,
        %swap3A_631 = vector.shape_cast %swap3A_630 : vector<1x1x16xf32> to vector<16xf32>
        %swap3A_632 = vector.shape_cast %add3A_626 : vector<16xf32> to vector<1x1x16xf32>
        tpu.vector_store %arg10[%swap3A_627, %swap3A_628, %swap3A_629], %swap3A_632 {strides = array<i32>} : memref<3x104x64xf32, #tpu.memory_space<vmem>>, vector<1x1x16xf32>,
        %get3A_633 = arith.constant 0 : i32
        %get3A_634 = arith.index_cast %get3A_633 : i32 to index
        %get3A_635 = arith.index_cast %scan3A_614 : i32 to index
        %get3A_636 = arith.constant 16 : index
        %get3A_637 = tpu.vector_load %arg8[%get3A_634, %get3A_635, %get3A_636] {strides = array<i32>} : memref<3x104x128xf32, #tpu.memory_space<vmem>>, vector<1x1x16xf32>,
        %get3A_638 = vector.shape_cast %get3A_637 : vector<1x1x16xf32> to vector<16xf32>
        %get3A_639 = arith.constant 0 : i32
        %get3A_640 = arith.index_cast %get3A_639 : i32 to index
        %get3A_641 = arith.index_cast %scan3A_614 : i32 to index
        %get3A_642 = arith.constant 80 : index
        %get3A_643 = tpu.vector_load %arg9[%get3A_640, %get3A_641, %get3A_642] {strides = array<i32>} : memref<3x104x128xf32, #tpu.memory_space<vmem>>, vector<1x1x16xf32>,
        %get3A_644 = vector.shape_cast %get3A_643 : vector<1x1x16xf32> to vector<16xf32>
        %add3A_645 = arith.addf %get3A_638, %get3A_644 : vector<16xf32>
        %swap3A_646 = arith.constant 0 : i32
        %swap3A_647 = arith.index_cast %swap3A_646 : i32 to index
        %swap3A_648 = arith.index_cast %scan3A_614 : i32 to index
        %swap3A_649 = arith.constant 16 : index
        %swap3A_650 = tpu.vector_load %arg10[%swap3A_647, %swap3A_648, %swap3A_649] {strides = array<i32>} : memref<3x104x64xf32, #tpu.memory_space<vmem>>, vector<1x1x16xf32>,
        %swap3A_651 = vector.shape_cast %swap3A_650 : vector<1x1x16xf32> to vector<16xf32>
        %swap3A_652 = vector.shape_cast %add3A_645 : vector<16xf32> to vector<1x1x16xf32>
        tpu.vector_store %arg10[%swap3A_647, %swap3A_648, %swap3A_649], %swap3A_652 {strides = array<i32>} : memref<3x104x64xf32, #tpu.memory_space<vmem>>, vector<1x1x16xf32>,
        %get3A_653 = arith.constant 0 : i32
        %get3A_654 = arith.index_cast %get3A_653 : i32 to index
        %get3A_655 = arith.index_cast %scan3A_614 : i32 to index
        %get3A_656 = arith.constant 32 : index
        %get3A_657 = tpu.vector_load %arg8[%get3A_654, %get3A_655, %get3A_656] {strides = array<i32>} : memref<3x104x128xf32, #tpu.memory_space<vmem>>, vector<1x1x16xf32>,
        %get3A_658 = vector.shape_cast %get3A_657 : vector<1x1x16xf32> to vector<16xf32>
        %get3A_659 = arith.constant 0 : i32
        %get3A_660 = arith.index_cast %get3A_659 : i32 to index
        %get3A_661 = arith.index_cast %scan3A_614 : i32 to index
        %get3A_662 = arith.constant 96 : index
        %get3A_663 = tpu.vector_load %arg9[%get3A_660, %get3A_661, %get3A_662] {strides = array<i32>} : memref<3x104x128xf32, #tpu.memory_space<vmem>>, vector<1x1x16xf32>,
        %get3A_664 = vector.shape_cast %get3A_663 : vector<1x1x16xf32> to vector<16xf32>
        %add3A_665 = arith.addf %get3A_658, %get3A_664 : vector<16xf32>
        %swap3A_666 = arith.constant 0 : i32
        %swap3A_667 = arith.index_cast %swap3A_666 : i32 to index
        %swap3A_668 = arith.index_cast %scan3A_614 : i32 to index
        %swap3A_669 = arith.constant 32 : index
        %swap3A_670 = tpu.vector_load %arg10[%swap3A_667, %swap3A_668, %swap3A_669] {strides = array<i32>} : memref<3x104x64xf32, #tpu.memory_space<vmem>>, vector<1x1x16xf32>,
        %swap3A_671 = vector.shape_cast %swap3A_670 : vector<1x1x16xf32> to vector<16xf32>
        %swap3A_672 = vector.shape_cast %add3A_665 : vector<16xf32> to vector<1x1x16xf32>
        tpu.vector_store %arg10[%swap3A_667, %swap3A_668, %swap3A_669], %swap3A_672 {strides = array<i32>} : memref<3x104x64xf32, #tpu.memory_space<vmem>>, vector<1x1x16xf32>,
        %get3A_673 = arith.constant 0 : i32
        %get3A_674 = arith.index_cast %get3A_673 : i32 to index
        %get3A_675 = arith.index_cast %scan3A_614 : i32 to index
        %get3A_676 = arith.constant 48 : index
        %get3A_677 = tpu.vector_load %arg8[%get3A_674, %get3A_675, %get3A_676] {strides = array<i32>} : memref<3x104x128xf32, #tpu.memory_space<vmem>>, vector<1x1x16xf32>,
        %get3A_678 = vector.shape_cast %get3A_677 : vector<1x1x16xf32> to vector<16xf32>
        %get3A_679 = arith.constant 0 : i32
        %get3A_680 = arith.index_cast %get3A_679 : i32 to index
        %get3A_681 = arith.index_cast %scan3A_614 : i32 to index
        %get3A_682 = arith.constant 112 : index
        %get3A_683 = tpu.vector_load %arg9[%get3A_680, %get3A_681, %get3A_682] {strides = array<i32>} : memref<3x104x128xf32, #tpu.memory_space<vmem>>, vector<1x1x16xf32>,
        %get3A_684 = vector.shape_cast %get3A_683 : vector<1x1x16xf32> to vector<16xf32>
        %add3A_685 = arith.addf %get3A_678, %get3A_684 : vector<16xf32>
        %swap3A_686 = arith.constant 0 : i32
        %swap3A_687 = arith.index_cast %swap3A_686 : i32 to index
        %swap3A_688 = arith.index_cast %scan3A_614 : i32 to index
        %swap3A_689 = arith.constant 48 : index
        %swap3A_690 = tpu.vector_load %arg10[%swap3A_687, %swap3A_688, %swap3A_689] {strides = array<i32>} : memref<3x104x64xf32, #tpu.memory_space<vmem>>, vector<1x1x16xf32>,
        %swap3A_691 = vector.shape_cast %swap3A_690 : vector<1x1x16xf32> to vector<16xf32>
        %swap3A_692 = vector.shape_cast %add3A_685 : vector<16xf32> to vector<1x1x16xf32>
        tpu.vector_store %arg10[%swap3A_687, %swap3A_688, %swap3A_689], %swap3A_692 {strides = array<i32>} : memref<3x104x64xf32, #tpu.memory_space<vmem>>, vector<1x1x16xf32>,
      }
      %scan3A_433 = arith.constant 104 : i32
      %mul3A_434 = arith.constant 25000 : i32
      %mul3A_435 = arith.muli %add3A, %mul3A_434 : i32
      %mul3A_436 = arith.constant 104 : i32
      %mul3A_437 = arith.muli %add3A_394, %mul3A_436 : i32
      %min3A_438 = arith.constant 24896 : i32
      %min3A_439 = arith.minsi %mul3A_437, %min3A_438 : i32
      %add3A_440 = arith.addi %mul3A_435, %min3A_439 : i32
      %multiple_of3A_441 = tpu.assume_multiple %add3A_440, 8 : i32
      %dma_start3A_442 = arith.constant 0 : i32
      %dma_start3A_443 = arith.constant 0 : i32
      %dma_start3A_444 = arith.constant 0 : i32
      %dma_start3A_445 = tpu.memref_slice %arg10[%dma_start3A_442, %dma_start3A_443, %dma_start3A_444] : memref<3x104x64xf32, #tpu.memory_space<vmem>> -> memref<1x104x64xf32, #tpu.memory_space<vmem>>
      %dma_start3A_446 = tpu.memref_squeeze %dma_start3A_445 : memref<1x104x64xf32, #tpu.memory_space<vmem>> -> memref<104x64xf32, #tpu.memory_space<vmem>>
      %dma_start3A_447 = arith.constant 0 : i32
      %dma_start3A_448 = tpu.memref_slice %arg5[%multiple_of3A_441, %dma_start3A_447] : memref<800000x64xf32, #tpu.memory_space<hbm>> -> memref<104x64xf32, #tpu.memory_space<hbm>>
      %dma_start3A_449 = arith.constant 0 : i32
      %dma_start3A_450 = tpu.memref_slice %arg5[%multiple_of3A_441, %dma_start3A_449] : memref<800000x64xf32, #tpu.memory_space<hbm>> -> memref<104x64xf32, #tpu.memory_space<hbm>>
      %dma_start3A_451 = arith.constant 0 : i32
      %dma_start3A_452 = arith.constant 0 : i32
      %dma_start3A_453 = tpu.memref_slice %arg10[%dma_start3A_442, %dma_start3A_451, %dma_start3A_452] : memref<3x104x64xf32, #tpu.memory_space<vmem>> -> memref<1x104x64xf32, #tpu.memory_space<vmem>>
      %dma_start3A_454 = tpu.memref_squeeze %dma_start3A_453 : memref<1x104x64xf32, #tpu.memory_space<vmem>> -> memref<104x64xf32, #tpu.memory_space<vmem>>
      tpu.enqueue_dma source(%dma_start3A_454 : memref<104x64xf32, #tpu.memory_space<vmem>>) target(%dma_start3A_450 : memref<104x64xf32, #tpu.memory_space<hbm>>) target_semaphore(%arg14 : memref<!tpu.dma_semaphore, #tpu.memory_space<semaphore_mem>>)
      %add3A_455 = arith.constant 3 : i32
      %add3A_456 = arith.addi %add3A_394, %add3A_455 : i32
      %lt3A_457 = arith.constant 243 : i32
      %lt3A_458 = arith.cmpi slt, %add3A_456, %lt3A_457 : i32
      %convert_element_type3A_459 = arith.extui %lt3A_458 : i1 to i32
      %cond3A_460 = arith.constant 0 : i32
      %cond3A_461 = arith.cmpi ne, %convert_element_type3A_459, %cond3A_460 : i32
      scf.if %cond3A_461 {
        %add3A_614 = arith.constant 3 : i32
        %add3A_615 = arith.addi %add3A_394, %add3A_614 : i32
        %add3A_616 = arith.constant 3 : i32
        %add3A_617 = arith.addi %add3A_394, %add3A_616 : i32
        %jit3A = arith.constant 6 : i32
        %eq3A = arith.constant 0 : i32
        %eq3A_618 = arith.cmpi eq, %jit3A, %eq3A : i32
        %jit3A_619 = arith.constant 1 : i32
        %select_n3A = arith.select %eq3A_618, %jit3A_619, %jit3A : i32
        %rem3A = arith.remsi %add3A_617, %select_n3A : i32
        %ne3A = arith.constant 0 : i32
        %ne3A_620 = arith.cmpi ne, %rem3A, %ne3A : i32
        %lt3A_621 = arith.constant 0 : i32
        %lt3A_622 = arith.cmpi slt, %rem3A, %lt3A_621 : i32
        %lt3A_623 = arith.constant 0 : i32
        %lt3A_624 = arith.cmpi slt, %select_n3A, %lt3A_623 : i32
        %ne3A_625 = arith.xori %lt3A_622, %lt3A_624 : i1
        %and3A = arith.andi %ne3A_625, %ne3A_620 : i1
        %add3A_626 = arith.addi %rem3A, %select_n3A : i32
        %select_n3A_627 = arith.select %and3A, %add3A_626, %rem3A : i32
        %mul3A_628 = arith.constant 25000 : i32
        %mul3A_629 = arith.muli %add3A, %mul3A_628 : i32
        %mul3A_630 = arith.constant 104 : i32
        %mul3A_631 = arith.muli %add3A_615, %mul3A_630 : i32
        %min3A_632 = arith.constant 24896 : i32
        %min3A_633 = arith.minsi %mul3A_631, %min3A_632 : i32
        %add3A_634 = arith.addi %mul3A_629, %min3A_633 : i32
        %multiple_of3A_635 = tpu.assume_multiple %add3A_634, 8 : i32
        %mul3A_636 = arith.constant 25000 : i32
        %mul3A_637 = arith.muli %add3A, %mul3A_636 : i32
        %mul3A_638 = arith.constant 104 : i32
        %mul3A_639 = arith.muli %add3A_615, %mul3A_638 : i32
        %min3A_640 = arith.constant 24896 : i32
        %min3A_641 = arith.minsi %mul3A_639, %min3A_640 : i32
        %add3A_642 = arith.addi %mul3A_637, %min3A_641 : i32
        %multiple_of3A_643 = tpu.assume_multiple %add3A_642, 8 : i32
        %dma_wait3A_644 = arith.constant 0 : i32
        %dma_wait3A_645 = tpu.memref_slice %arg6[%select_n3A_627, %dma_wait3A_644] : memref<6x104xi32, #tpu.memory_space<vmem>> -> memref<1x104xi32, #tpu.memory_space<vmem>>
        %dma_wait3A_646 = tpu.memref_squeeze %dma_wait3A_645 : memref<1x104xi32, #tpu.memory_space<vmem>> -> memref<104xi32, #tpu.memory_space<vmem>>
        %dma_wait3A_647 = tpu.memref_slice %arg3[%multiple_of3A_635] : memref<800000xi32, #tpu.memory_space<hbm>> -> memref<104xi32, #tpu.memory_space<hbm>>
        %dma_wait3A_648 = arith.constant 0 : i32
        %dma_wait3A_649 = tpu.memref_slice %arg6[%select_n3A_627, %dma_wait3A_648] : memref<6x104xi32, #tpu.memory_space<vmem>> -> memref<1x104xi32, #tpu.memory_space<vmem>>
        %dma_wait3A_650 = tpu.memref_squeeze %dma_wait3A_649 : memref<1x104xi32, #tpu.memory_space<vmem>> -> memref<104xi32, #tpu.memory_space<vmem>>
        %dma_wait3A_651 = tpu.memref_slice %arg3[%multiple_of3A_635] : memref<800000xi32, #tpu.memory_space<hbm>> -> memref<104xi32, #tpu.memory_space<hbm>>
        tpu.wait_dma2 semaphore(%arg11 : memref<!tpu.dma_semaphore, #tpu.memory_space<semaphore_mem>>) src(%dma_wait3A_651 : memref<104xi32, #tpu.memory_space<hbm>>) dst(%dma_wait3A_650 : memref<104xi32, #tpu.memory_space<vmem>>)
        %dma_wait3A_652 = arith.constant 0 : i32
        %dma_wait3A_653 = tpu.memref_slice %arg7[%select_n3A_627, %dma_wait3A_652] : memref<6x104xi32, #tpu.memory_space<vmem>> -> memref<1x104xi32, #tpu.memory_space<vmem>>
        %dma_wait3A_654 = tpu.memref_squeeze %dma_wait3A_653 : memref<1x104xi32, #tpu.memory_space<vmem>> -> memref<104xi32, #tpu.memory_space<vmem>>
        %dma_wait3A_655 = tpu.memref_slice %arg4[%multiple_of3A_643] : memref<800000xi32, #tpu.memory_space<hbm>> -> memref<104xi32, #tpu.memory_space<hbm>>
        %dma_wait3A_656 = arith.constant 0 : i32
        %dma_wait3A_657 = tpu.memref_slice %arg7[%select_n3A_627, %dma_wait3A_656] : memref<6x104xi32, #tpu.memory_space<vmem>> -> memref<1x104xi32, #tpu.memory_space<vmem>>
        %dma_wait3A_658 = tpu.memref_squeeze %dma_wait3A_657 : memref<1x104xi32, #tpu.memory_space<vmem>> -> memref<104xi32, #tpu.memory_space<vmem>>
        %dma_wait3A_659 = tpu.memref_slice %arg4[%multiple_of3A_643] : memref<800000xi32, #tpu.memory_space<hbm>> -> memref<104xi32, #tpu.memory_space<hbm>>
        tpu.wait_dma2 semaphore(%arg11 : memref<!tpu.dma_semaphore, #tpu.memory_space<semaphore_mem>>) src(%dma_wait3A_659 : memref<104xi32, #tpu.memory_space<hbm>>) dst(%dma_wait3A_658 : memref<104xi32, #tpu.memory_space<vmem>>)
        %add3A_660 = arith.constant 3 : i32
        %add3A_661 = arith.addi %add3A_394, %add3A_660 : i32
        %jit3A_662 = arith.constant 6 : i32
        %eq3A_663 = arith.constant 0 : i32
        %eq3A_664 = arith.cmpi eq, %jit3A_662, %eq3A_663 : i32
        %jit3A_665 = arith.constant 1 : i32
        %select_n3A_666 = arith.select %eq3A_664, %jit3A_665, %jit3A_662 : i32
        %rem3A_667 = arith.remsi %add3A_661, %select_n3A_666 : i32
        %ne3A_668 = arith.constant 0 : i32
        %ne3A_669 = arith.cmpi ne, %rem3A_667, %ne3A_668 : i32
        %lt3A_670 = arith.constant 0 : i32
        %lt3A_671 = arith.cmpi slt, %rem3A_667, %lt3A_670 : i32
        %lt3A_672 = arith.constant 0 : i32
        %lt3A_673 = arith.cmpi slt, %select_n3A_666, %lt3A_672 : i32
        %ne3A_674 = arith.xori %lt3A_671, %lt3A_673 : i1
        %and3A_675 = arith.andi %ne3A_674, %ne3A_669 : i1
        %add3A_676 = arith.addi %rem3A_667, %select_n3A_666 : i32
        %select_n3A_677 = arith.select %and3A_675, %add3A_676, %rem3A_667 : i32
        %dma_start3A_678 = arith.constant 0 : i32
        %dma_start3A_679 = arith.constant 0 : i32
        %dma_start3A_680 = arith.constant 0 : i32
        %dma_start3A_681 = tpu.memref_slice %arg8[%dma_start3A_678, %dma_start3A_679, %dma_start3A_680] : memref<3x104x128xf32, #tpu.memory_space<vmem>> -> memref<1x104x128xf32, #tpu.memory_space<vmem>>
        %dma_start3A_682 = tpu.memref_squeeze %dma_start3A_681 : memref<1x104x128xf32, #tpu.memory_space<vmem>> -> memref<104x128xf32, #tpu.memory_space<vmem>>
        %dma_start3A_683 = arith.constant 0 : i32
        %dma_start3A_684 = tpu.memref_slice %arg6[%select_n3A_677, %dma_start3A_683] : memref<6x104xi32, #tpu.memory_space<vmem>> -> memref<1x104xi32, #tpu.memory_space<vmem>>
        %dma_start3A_685 = tpu.memref_squeeze %dma_start3A_684 : memref<1x104xi32, #tpu.memory_space<vmem>> -> memref<104xi32, #tpu.memory_space<vmem>>
        %dma_start3A_686 = arith.constant 0 : i32
        %dma_start3A_687 = arith.constant 0 : i32
        %dma_start3A_688 = tpu.memref_slice %arg2[%dma_start3A_686, %dma_start3A_687] : memref<800000x128xf32, #tpu.memory_space<hbm>> -> memref<800000x128xf32, #tpu.memory_space<hbm>>
        tpu.enqueue_indirect_dma source(%dma_start3A_688 : memref<800000x128xf32, #tpu.memory_space<hbm>>) target(%dma_start3A_682 : memref<104x128xf32, #tpu.memory_space<vmem>>) offsets(%dma_start3A_685 : memref<104xi32, #tpu.memory_space<vmem>>) semaphore(%arg12 : memref<!tpu.dma_semaphore, #tpu.memory_space<semaphore_mem>>)
        %dma_start3A_689 = arith.constant 0 : i32
        %dma_start3A_690 = arith.constant 0 : i32
        %dma_start3A_691 = arith.constant 0 : i32
        %dma_start3A_692 = tpu.memref_slice %arg9[%dma_start3A_689, %dma_start3A_690, %dma_start3A_691] : memref<3x104x128xf32, #tpu.memory_space<vmem>> -> memref<1x104x128xf32, #tpu.memory_space<vmem>>
        %dma_start3A_693 = tpu.memref_squeeze %dma_start3A_692 : memref<1x104x128xf32, #tpu.memory_space<vmem>> -> memref<104x128xf32, #tpu.memory_space<vmem>>
        %dma_start3A_694 = arith.constant 0 : i32
        %dma_start3A_695 = tpu.memref_slice %arg7[%select_n3A_677, %dma_start3A_694] : memref<6x104xi32, #tpu.memory_space<vmem>> -> memref<1x104xi32, #tpu.memory_space<vmem>>
        %dma_start3A_696 = tpu.memref_squeeze %dma_start3A_695 : memref<1x104xi32, #tpu.memory_space<vmem>> -> memref<104xi32, #tpu.memory_space<vmem>>
        %dma_start3A_697 = arith.constant 0 : i32
        %dma_start3A_698 = arith.constant 0 : i32
        %dma_start3A_699 = tpu.memref_slice %arg2[%dma_start3A_697, %dma_start3A_698] : memref<800000x128xf32, #tpu.memory_space<hbm>> -> memref<800000x128xf32, #tpu.memory_space<hbm>>
        tpu.enqueue_indirect_dma source(%dma_start3A_699 : memref<800000x128xf32, #tpu.memory_space<hbm>>) target(%dma_start3A_693 : memref<104x128xf32, #tpu.memory_space<vmem>>) offsets(%dma_start3A_696 : memref<104xi32, #tpu.memory_space<vmem>>) semaphore(%arg13 : memref<!tpu.dma_semaphore, #tpu.memory_space<semaphore_mem>>)
      } else {
      }
      %mul3A_462 = arith.constant 3 : i32
      %mul3A_463 = arith.muli %mul3A_462, %scan3A_390 : i32
      %add3A_464 = arith.constant 1 : i32
      %add3A_465 = arith.addi %mul3A_463, %add3A_464 : i32
      %dma_wait3A_466 = arith.constant 0 : i32
      %dma_wait3A_467 = arith.constant 1 : i32
      %dma_wait3A_468 = arith.constant 0 : i32
      %dma_wait3A_469 = arith.constant 0 : i32
      %dma_wait3A_470 = tpu.memref_slice %arg8[%dma_wait3A_467, %dma_wait3A_468, %dma_wait3A_469] : memref<3x104x128xf32, #tpu.memory_space<vmem>> -> memref<1x104x128xf32, #tpu.memory_space<vmem>>
      %dma_wait3A_471 = tpu.memref_squeeze %dma_wait3A_470 : memref<1x104x128xf32, #tpu.memory_space<vmem>> -> memref<104x128xf32, #tpu.memory_space<vmem>>
      %dma_wait3A_472 = arith.constant 0 : i32
      %dma_wait3A_473 = tpu.memref_slice %arg6[%dma_wait3A_466, %dma_wait3A_472] : memref<6x104xi32, #tpu.memory_space<vmem>> -> memref<1x104xi32, #tpu.memory_space<vmem>>
      %dma_wait3A_474 = tpu.memref_squeeze %dma_wait3A_473 : memref<1x104xi32, #tpu.memory_space<vmem>> -> memref<104xi32, #tpu.memory_space<vmem>>
      %dma_wait3A_475 = arith.constant 0 : i32
      %dma_wait3A_476 = arith.constant 0 : i32
      %dma_wait3A_477 = tpu.memref_slice %arg2[%dma_wait3A_475, %dma_wait3A_476] : memref<800000x128xf32, #tpu.memory_space<hbm>> -> memref<800000x128xf32, #tpu.memory_space<hbm>>
      tpu.wait_indirect_dma semaphore(%arg12 : memref<!tpu.dma_semaphore, #tpu.memory_space<semaphore_mem>>) src(%dma_wait3A_477 : memref<800000x128xf32, #tpu.memory_space<hbm>>) dst(%dma_wait3A_471 : memref<104x128xf32, #tpu.memory_space<vmem>>)
      %dma_wait3A_478 = arith.constant 0 : i32
      %dma_wait3A_479 = arith.constant 1 : i32
      %dma_wait3A_480 = arith.constant 0 : i32
      %dma_wait3A_481 = arith.constant 0 : i32
      %dma_wait3A_482 = tpu.memref_slice %arg9[%dma_wait3A_479, %dma_wait3A_480, %dma_wait3A_481] : memref<3x104x128xf32, #tpu.memory_space<vmem>> -> memref<1x104x128xf32, #tpu.memory_space<vmem>>
      %dma_wait3A_483 = tpu.memref_squeeze %dma_wait3A_482 : memref<1x104x128xf32, #tpu.memory_space<vmem>> -> memref<104x128xf32, #tpu.memory_space<vmem>>
      %dma_wait3A_484 = arith.constant 0 : i32
      %dma_wait3A_485 = tpu.memref_slice %arg7[%dma_wait3A_478, %dma_wait3A_484] : memref<6x104xi32, #tpu.memory_space<vmem>> -> memref<1x104xi32, #tpu.memory_space<vmem>>
      %dma_wait3A_486 = tpu.memref_squeeze %dma_wait3A_485 : memref<1x104xi32, #tpu.memory_space<vmem>> -> memref<104xi32, #tpu.memory_space<vmem>>
      %dma_wait3A_487 = arith.constant 0 : i32
      %dma_wait3A_488 = arith.constant 0 : i32
      %dma_wait3A_489 = tpu.memref_slice %arg2[%dma_wait3A_487, %dma_wait3A_488] : memref<800000x128xf32, #tpu.memory_space<hbm>> -> memref<800000x128xf32, #tpu.memory_space<hbm>>
      tpu.wait_indirect_dma semaphore(%arg13 : memref<!tpu.dma_semaphore, #tpu.memory_space<semaphore_mem>>) src(%dma_wait3A_489 : memref<800000x128xf32, #tpu.memory_space<hbm>>) dst(%dma_wait3A_483 : memref<104x128xf32, #tpu.memory_space<vmem>>)
      %add3A_490 = arith.constant 6 : i32
      %add3A_491 = arith.addi %add3A_465, %add3A_490 : i32
      %sub3A_492 = arith.constant 1 : i32
      %sub3A_493 = arith.subi %add3A_491, %sub3A_492 : i32
      %lt3A_494 = arith.constant 243 : i32
      %lt3A_495 = arith.cmpi slt, %sub3A_493, %lt3A_494 : i32
      %convert_element_type3A_496 = arith.extui %lt3A_495 : i1 to i32
      %cond3A_497 = arith.constant 0 : i32
      %cond3A_498 = arith.cmpi ne, %convert_element_type3A_496, %cond3A_497 : i32
      scf.if %cond3A_498 {
        %add3A_614 = arith.constant 6 : i32
        %add3A_615 = arith.addi %add3A_465, %add3A_614 : i32
        %sub3A_616 = arith.constant 1 : i32
        %sub3A_617 = arith.subi %add3A_615, %sub3A_616 : i32
        %add3A_618 = arith.constant 6 : i32
        %add3A_619 = arith.addi %add3A_465, %add3A_618 : i32
        %sub3A_620 = arith.constant 1 : i32
        %sub3A_621 = arith.subi %add3A_619, %sub3A_620 : i32
        %jit3A = arith.constant 6 : i32
        %eq3A = arith.constant 0 : i32
        %eq3A_622 = arith.cmpi eq, %jit3A, %eq3A : i32
        %jit3A_623 = arith.constant 1 : i32
        %select_n3A = arith.select %eq3A_622, %jit3A_623, %jit3A : i32
        %rem3A = arith.remsi %sub3A_621, %select_n3A : i32
        %ne3A = arith.constant 0 : i32
        %ne3A_624 = arith.cmpi ne, %rem3A, %ne3A : i32
        %lt3A_625 = arith.constant 0 : i32
        %lt3A_626 = arith.cmpi slt, %rem3A, %lt3A_625 : i32
        %lt3A_627 = arith.constant 0 : i32
        %lt3A_628 = arith.cmpi slt, %select_n3A, %lt3A_627 : i32
        %ne3A_629 = arith.xori %lt3A_626, %lt3A_628 : i1
        %and3A = arith.andi %ne3A_629, %ne3A_624 : i1
        %add3A_630 = arith.addi %rem3A, %select_n3A : i32
        %select_n3A_631 = arith.select %and3A, %add3A_630, %rem3A : i32
        %mul3A_632 = arith.constant 25000 : i32
        %mul3A_633 = arith.muli %add3A, %mul3A_632 : i32
        %mul3A_634 = arith.constant 104 : i32
        %mul3A_635 = arith.muli %sub3A_617, %mul3A_634 : i32
        %min3A_636 = arith.constant 24896 : i32
        %min3A_637 = arith.minsi %mul3A_635, %min3A_636 : i32
        %add3A_638 = arith.addi %mul3A_633, %min3A_637 : i32
        %multiple_of3A_639 = tpu.assume_multiple %add3A_638, 8 : i32
        %mul3A_640 = arith.constant 25000 : i32
        %mul3A_641 = arith.muli %add3A, %mul3A_640 : i32
        %mul3A_642 = arith.constant 104 : i32
        %mul3A_643 = arith.muli %sub3A_617, %mul3A_642 : i32
        %min3A_644 = arith.constant 24896 : i32
        %min3A_645 = arith.minsi %mul3A_643, %min3A_644 : i32
        %add3A_646 = arith.addi %mul3A_641, %min3A_645 : i32
        %multiple_of3A_647 = tpu.assume_multiple %add3A_646, 8 : i32
        %dma_start3A_648 = arith.constant 0 : i32
        %dma_start3A_649 = tpu.memref_slice %arg6[%select_n3A_631, %dma_start3A_648] : memref<6x104xi32, #tpu.memory_space<vmem>> -> memref<1x104xi32, #tpu.memory_space<vmem>>
        %dma_start3A_650 = tpu.memref_squeeze %dma_start3A_649 : memref<1x104xi32, #tpu.memory_space<vmem>> -> memref<104xi32, #tpu.memory_space<vmem>>
        %dma_start3A_651 = tpu.memref_slice %arg3[%multiple_of3A_639] : memref<800000xi32, #tpu.memory_space<hbm>> -> memref<104xi32, #tpu.memory_space<hbm>>
        %dma_start3A_652 = arith.constant 0 : i32
        %dma_start3A_653 = tpu.memref_slice %arg6[%select_n3A_631, %dma_start3A_652] : memref<6x104xi32, #tpu.memory_space<vmem>> -> memref<1x104xi32, #tpu.memory_space<vmem>>
        %dma_start3A_654 = tpu.memref_squeeze %dma_start3A_653 : memref<1x104xi32, #tpu.memory_space<vmem>> -> memref<104xi32, #tpu.memory_space<vmem>>
        %dma_start3A_655 = tpu.memref_slice %arg3[%multiple_of3A_639] : memref<800000xi32, #tpu.memory_space<hbm>> -> memref<104xi32, #tpu.memory_space<hbm>>
        tpu.enqueue_dma source(%dma_start3A_655 : memref<104xi32, #tpu.memory_space<hbm>>) target(%dma_start3A_654 : memref<104xi32, #tpu.memory_space<vmem>>) target_semaphore(%arg11 : memref<!tpu.dma_semaphore, #tpu.memory_space<semaphore_mem>>)
        %dma_start3A_656 = arith.constant 0 : i32
        %dma_start3A_657 = tpu.memref_slice %arg7[%select_n3A_631, %dma_start3A_656] : memref<6x104xi32, #tpu.memory_space<vmem>> -> memref<1x104xi32, #tpu.memory_space<vmem>>
        %dma_start3A_658 = tpu.memref_squeeze %dma_start3A_657 : memref<1x104xi32, #tpu.memory_space<vmem>> -> memref<104xi32, #tpu.memory_space<vmem>>
        %dma_start3A_659 = tpu.memref_slice %arg4[%multiple_of3A_647] : memref<800000xi32, #tpu.memory_space<hbm>> -> memref<104xi32, #tpu.memory_space<hbm>>
        %dma_start3A_660 = arith.constant 0 : i32
        %dma_start3A_661 = tpu.memref_slice %arg7[%select_n3A_631, %dma_start3A_660] : memref<6x104xi32, #tpu.memory_space<vmem>> -> memref<1x104xi32, #tpu.memory_space<vmem>>
        %dma_start3A_662 = tpu.memref_squeeze %dma_start3A_661 : memref<1x104xi32, #tpu.memory_space<vmem>> -> memref<104xi32, #tpu.memory_space<vmem>>
        %dma_start3A_663 = tpu.memref_slice %arg4[%multiple_of3A_647] : memref<800000xi32, #tpu.memory_space<hbm>> -> memref<104xi32, #tpu.memory_space<hbm>>
        tpu.enqueue_dma source(%dma_start3A_663 : memref<104xi32, #tpu.memory_space<hbm>>) target(%dma_start3A_662 : memref<104xi32, #tpu.memory_space<vmem>>) target_semaphore(%arg11 : memref<!tpu.dma_semaphore, #tpu.memory_space<semaphore_mem>>)
      } else {
      }
      %ge3A_499 = arith.constant 3 : i32
      %ge3A_500 = arith.cmpi sge, %add3A_465, %ge3A_499 : i32
      %convert_element_type3A_501 = arith.extui %ge3A_500 : i1 to i32
      %cond3A_502 = arith.constant 0 : i32
      %cond3A_503 = arith.cmpi ne, %convert_element_type3A_501, %cond3A_502 : i32
      scf.if %cond3A_503 {
        %sub3A_614 = arith.constant 3 : i32
        %sub3A_615 = arith.subi %add3A_465, %sub3A_614 : i32
        %mul3A_616 = arith.constant 25000 : i32
        %mul3A_617 = arith.muli %add3A, %mul3A_616 : i32
        %mul3A_618 = arith.constant 104 : i32
        %mul3A_619 = arith.muli %sub3A_615, %mul3A_618 : i32
        %min3A_620 = arith.constant 24896 : i32
        %min3A_621 = arith.minsi %mul3A_619, %min3A_620 : i32
        %add3A_622 = arith.addi %mul3A_617, %min3A_621 : i32
        %multiple_of3A_623 = tpu.assume_multiple %add3A_622, 8 : i32
        %dma_wait3A_624 = arith.constant 1 : i32
        %dma_wait3A_625 = arith.constant 0 : i32
        %dma_wait3A_626 = arith.constant 0 : i32
        %dma_wait3A_627 = tpu.memref_slice %arg10[%dma_wait3A_624, %dma_wait3A_625, %dma_wait3A_626] : memref<3x104x64xf32, #tpu.memory_space<vmem>> -> memref<1x104x64xf32, #tpu.memory_space<vmem>>
        %dma_wait3A_628 = tpu.memref_squeeze %dma_wait3A_627 : memref<1x104x64xf32, #tpu.memory_space<vmem>> -> memref<104x64xf32, #tpu.memory_space<vmem>>
        %dma_wait3A_629 = arith.constant 0 : i32
        %dma_wait3A_630 = tpu.memref_slice %arg5[%multiple_of3A_623, %dma_wait3A_629] : memref<800000x64xf32, #tpu.memory_space<hbm>> -> memref<104x64xf32, #tpu.memory_space<hbm>>
        %dma_wait3A_631 = arith.constant 0 : i32
        %dma_wait3A_632 = tpu.memref_slice %arg5[%multiple_of3A_623, %dma_wait3A_631] : memref<800000x64xf32, #tpu.memory_space<hbm>> -> memref<104x64xf32, #tpu.memory_space<hbm>>
        %dma_wait3A_633 = arith.constant 0 : i32
        %dma_wait3A_634 = arith.constant 0 : i32
        %dma_wait3A_635 = tpu.memref_slice %arg10[%dma_wait3A_624, %dma_wait3A_633, %dma_wait3A_634] : memref<3x104x64xf32, #tpu.memory_space<vmem>> -> memref<1x104x64xf32, #tpu.memory_space<vmem>>
        %dma_wait3A_636 = tpu.memref_squeeze %dma_wait3A_635 : memref<1x104x64xf32, #tpu.memory_space<vmem>> -> memref<104x64xf32, #tpu.memory_space<vmem>>
        tpu.wait_dma2 semaphore(%arg14 : memref<!tpu.dma_semaphore, #tpu.memory_space<semaphore_mem>>) src(%dma_wait3A_636 : memref<104x64xf32, #tpu.memory_space<vmem>>) dst(%dma_wait3A_632 : memref<104x64xf32, #tpu.memory_space<hbm>>)
      } else {
      }
      %scan3A_504 = arith.constant 0 : i32
      %scan3A_505 = arith.constant 0 : i32
      %scan3A_506 = arith.constant 104 : i32
      %scan3A_507 = arith.addi %scan3A_505, %scan3A_506 : i32
      %scan3A_508 = arith.constant 1 : i32
      scf.for %scan3A_614 = %scan3A_505 to %scan3A_507 step %scan3A_508  : i32 {
        %get3A = arith.constant 1 : i32
        %get3A_615 = arith.index_cast %get3A : i32 to index
        %get3A_616 = arith.index_cast %scan3A_614 : i32 to index
        %get3A_617 = arith.constant 0 : index
        %get3A_618 = tpu.vector_load %arg8[%get3A_615, %get3A_616, %get3A_617] {strides = array<i32>} : memref<3x104x128xf32, #tpu.memory_space<vmem>>, vector<1x1x16xf32>,
        %get3A_619 = vector.shape_cast %get3A_618 : vector<1x1x16xf32> to vector<16xf32>
        %get3A_620 = arith.constant 1 : i32
        %get3A_621 = arith.index_cast %get3A_620 : i32 to index
        %get3A_622 = arith.index_cast %scan3A_614 : i32 to index
        %get3A_623 = arith.constant 64 : index
        %get3A_624 = tpu.vector_load %arg9[%get3A_621, %get3A_622, %get3A_623] {strides = array<i32>} : memref<3x104x128xf32, #tpu.memory_space<vmem>>, vector<1x1x16xf32>,
        %get3A_625 = vector.shape_cast %get3A_624 : vector<1x1x16xf32> to vector<16xf32>
        %add3A_626 = arith.addf %get3A_619, %get3A_625 : vector<16xf32>
        %swap3A = arith.constant 1 : i32
        %swap3A_627 = arith.index_cast %swap3A : i32 to index
        %swap3A_628 = arith.index_cast %scan3A_614 : i32 to index
        %swap3A_629 = arith.constant 0 : index
        %swap3A_630 = tpu.vector_load %arg10[%swap3A_627, %swap3A_628, %swap3A_629] {strides = array<i32>} : memref<3x104x64xf32, #tpu.memory_space<vmem>>, vector<1x1x16xf32>,
        %swap3A_631 = vector.shape_cast %swap3A_630 : vector<1x1x16xf32> to vector<16xf32>
        %swap3A_632 = vector.shape_cast %add3A_626 : vector<16xf32> to vector<1x1x16xf32>
        tpu.vector_store %arg10[%swap3A_627, %swap3A_628, %swap3A_629], %swap3A_632 {strides = array<i32>} : memref<3x104x64xf32, #tpu.memory_space<vmem>>, vector<1x1x16xf32>,
        %get3A_633 = arith.constant 1 : i32
        %get3A_634 = arith.index_cast %get3A_633 : i32 to index
        %get3A_635 = arith.index_cast %scan3A_614 : i32 to index
        %get3A_636 = arith.constant 16 : index
        %get3A_637 = tpu.vector_load %arg8[%get3A_634, %get3A_635, %get3A_636] {strides = array<i32>} : memref<3x104x128xf32, #tpu.memory_space<vmem>>, vector<1x1x16xf32>,
        %get3A_638 = vector.shape_cast %get3A_637 : vector<1x1x16xf32> to vector<16xf32>
        %get3A_639 = arith.constant 1 : i32
        %get3A_640 = arith.index_cast %get3A_639 : i32 to index
        %get3A_641 = arith.index_cast %scan3A_614 : i32 to index
        %get3A_642 = arith.constant 80 : index
        %get3A_643 = tpu.vector_load %arg9[%get3A_640, %get3A_641, %get3A_642] {strides = array<i32>} : memref<3x104x128xf32, #tpu.memory_space<vmem>>, vector<1x1x16xf32>,
        %get3A_644 = vector.shape_cast %get3A_643 : vector<1x1x16xf32> to vector<16xf32>
        %add3A_645 = arith.addf %get3A_638, %get3A_644 : vector<16xf32>
        %swap3A_646 = arith.constant 1 : i32
        %swap3A_647 = arith.index_cast %swap3A_646 : i32 to index
        %swap3A_648 = arith.index_cast %scan3A_614 : i32 to index
        %swap3A_649 = arith.constant 16 : index
        %swap3A_650 = tpu.vector_load %arg10[%swap3A_647, %swap3A_648, %swap3A_649] {strides = array<i32>} : memref<3x104x64xf32, #tpu.memory_space<vmem>>, vector<1x1x16xf32>,
        %swap3A_651 = vector.shape_cast %swap3A_650 : vector<1x1x16xf32> to vector<16xf32>
        %swap3A_652 = vector.shape_cast %add3A_645 : vector<16xf32> to vector<1x1x16xf32>
        tpu.vector_store %arg10[%swap3A_647, %swap3A_648, %swap3A_649], %swap3A_652 {strides = array<i32>} : memref<3x104x64xf32, #tpu.memory_space<vmem>>, vector<1x1x16xf32>,
        %get3A_653 = arith.constant 1 : i32
        %get3A_654 = arith.index_cast %get3A_653 : i32 to index
        %get3A_655 = arith.index_cast %scan3A_614 : i32 to index
        %get3A_656 = arith.constant 32 : index
        %get3A_657 = tpu.vector_load %arg8[%get3A_654, %get3A_655, %get3A_656] {strides = array<i32>} : memref<3x104x128xf32, #tpu.memory_space<vmem>>, vector<1x1x16xf32>,
        %get3A_658 = vector.shape_cast %get3A_657 : vector<1x1x16xf32> to vector<16xf32>
        %get3A_659 = arith.constant 1 : i32
        %get3A_660 = arith.index_cast %get3A_659 : i32 to index
        %get3A_661 = arith.index_cast %scan3A_614 : i32 to index
        %get3A_662 = arith.constant 96 : index
        %get3A_663 = tpu.vector_load %arg9[%get3A_660, %get3A_661, %get3A_662] {strides = array<i32>} : memref<3x104x128xf32, #tpu.memory_space<vmem>>, vector<1x1x16xf32>,
        %get3A_664 = vector.shape_cast %get3A_663 : vector<1x1x16xf32> to vector<16xf32>
        %add3A_665 = arith.addf %get3A_658, %get3A_664 : vector<16xf32>
        %swap3A_666 = arith.constant 1 : i32
        %swap3A_667 = arith.index_cast %swap3A_666 : i32 to index
        %swap3A_668 = arith.index_cast %scan3A_614 : i32 to index
        %swap3A_669 = arith.constant 32 : index
        %swap3A_670 = tpu.vector_load %arg10[%swap3A_667, %swap3A_668, %swap3A_669] {strides = array<i32>} : memref<3x104x64xf32, #tpu.memory_space<vmem>>, vector<1x1x16xf32>,
        %swap3A_671 = vector.shape_cast %swap3A_670 : vector<1x1x16xf32> to vector<16xf32>
        %swap3A_672 = vector.shape_cast %add3A_665 : vector<16xf32> to vector<1x1x16xf32>
        tpu.vector_store %arg10[%swap3A_667, %swap3A_668, %swap3A_669], %swap3A_672 {strides = array<i32>} : memref<3x104x64xf32, #tpu.memory_space<vmem>>, vector<1x1x16xf32>,
        %get3A_673 = arith.constant 1 : i32
        %get3A_674 = arith.index_cast %get3A_673 : i32 to index
        %get3A_675 = arith.index_cast %scan3A_614 : i32 to index
        %get3A_676 = arith.constant 48 : index
        %get3A_677 = tpu.vector_load %arg8[%get3A_674, %get3A_675, %get3A_676] {strides = array<i32>} : memref<3x104x128xf32, #tpu.memory_space<vmem>>, vector<1x1x16xf32>,
        %get3A_678 = vector.shape_cast %get3A_677 : vector<1x1x16xf32> to vector<16xf32>
        %get3A_679 = arith.constant 1 : i32
        %get3A_680 = arith.index_cast %get3A_679 : i32 to index
        %get3A_681 = arith.index_cast %scan3A_614 : i32 to index
        %get3A_682 = arith.constant 112 : index
        %get3A_683 = tpu.vector_load %arg9[%get3A_680, %get3A_681, %get3A_682] {strides = array<i32>} : memref<3x104x128xf32, #tpu.memory_space<vmem>>, vector<1x1x16xf32>,
        %get3A_684 = vector.shape_cast %get3A_683 : vector<1x1x16xf32> to vector<16xf32>
        %add3A_685 = arith.addf %get3A_678, %get3A_684 : vector<16xf32>
        %swap3A_686 = arith.constant 1 : i32
        %swap3A_687 = arith.index_cast %swap3A_686 : i32 to index
        %swap3A_688 = arith.index_cast %scan3A_614 : i32 to index
        %swap3A_689 = arith.constant 48 : index
        %swap3A_690 = tpu.vector_load %arg10[%swap3A_687, %swap3A_688, %swap3A_689] {strides = array<i32>} : memref<3x104x64xf32, #tpu.memory_space<vmem>>, vector<1x1x16xf32>,
        %swap3A_691 = vector.shape_cast %swap3A_690 : vector<1x1x16xf32> to vector<16xf32>
        %swap3A_692 = vector.shape_cast %add3A_685 : vector<16xf32> to vector<1x1x16xf32>
        tpu.vector_store %arg10[%swap3A_687, %swap3A_688, %swap3A_689], %swap3A_692 {strides = array<i32>} : memref<3x104x64xf32, #tpu.memory_space<vmem>>, vector<1x1x16xf32>,
      }
      %scan3A_509 = arith.constant 104 : i32
      %mul3A_510 = arith.constant 25000 : i32
      %mul3A_511 = arith.muli %add3A, %mul3A_510 : i32
      %mul3A_512 = arith.constant 104 : i32
      %mul3A_513 = arith.muli %add3A_465, %mul3A_512 : i32
      %min3A_514 = arith.constant 24896 : i32
      %min3A_515 = arith.minsi %mul3A_513, %min3A_514 : i32
      %add3A_516 = arith.addi %mul3A_511, %min3A_515 : i32
      %multiple_of3A_517 = tpu.assume_multiple %add3A_516, 8 : i32
      %dma_start3A_518 = arith.constant 1 : i32
      %dma_start3A_519 = arith.constant 0 : i32
      %dma_start3A_520 = arith.constant 0 : i32
      %dma_start3A_521 = tpu.memref_slice %arg10[%dma_start3A_518, %dma_start3A_519, %dma_start3A_520] : memref<3x104x64xf32, #tpu.memory_space<vmem>> -> memref<1x104x64xf32, #tpu.memory_space<vmem>>
      %dma_start3A_522 = tpu.memref_squeeze %dma_start3A_521 : memref<1x104x64xf32, #tpu.memory_space<vmem>> -> memref<104x64xf32, #tpu.memory_space<vmem>>
      %dma_start3A_523 = arith.constant 0 : i32
      %dma_start3A_524 = tpu.memref_slice %arg5[%multiple_of3A_517, %dma_start3A_523] : memref<800000x64xf32, #tpu.memory_space<hbm>> -> memref<104x64xf32, #tpu.memory_space<hbm>>
      %dma_start3A_525 = arith.constant 0 : i32
      %dma_start3A_526 = tpu.memref_slice %arg5[%multiple_of3A_517, %dma_start3A_525] : memref<800000x64xf32, #tpu.memory_space<hbm>> -> memref<104x64xf32, #tpu.memory_space<hbm>>
      %dma_start3A_527 = arith.constant 0 : i32
      %dma_start3A_528 = arith.constant 0 : i32
      %dma_start3A_529 = tpu.memref_slice %arg10[%dma_start3A_518, %dma_start3A_527, %dma_start3A_528] : memref<3x104x64xf32, #tpu.memory_space<vmem>> -> memref<1x104x64xf32, #tpu.memory_space<vmem>>
      %dma_start3A_530 = tpu.memref_squeeze %dma_start3A_529 : memref<1x104x64xf32, #tpu.memory_space<vmem>> -> memref<104x64xf32, #tpu.memory_space<vmem>>
      tpu.enqueue_dma source(%dma_start3A_530 : memref<104x64xf32, #tpu.memory_space<vmem>>) target(%dma_start3A_526 : memref<104x64xf32, #tpu.memory_space<hbm>>) target_semaphore(%arg14 : memref<!tpu.dma_semaphore, #tpu.memory_space<semaphore_mem>>)
      %add3A_531 = arith.constant 3 : i32
      %add3A_532 = arith.addi %add3A_465, %add3A_531 : i32
      %lt3A_533 = arith.constant 243 : i32
      %lt3A_534 = arith.cmpi slt, %add3A_532, %lt3A_533 : i32
      %convert_element_type3A_535 = arith.extui %lt3A_534 : i1 to i32
      %cond3A_536 = arith.constant 0 : i32
      %cond3A_537 = arith.cmpi ne, %convert_element_type3A_535, %cond3A_536 : i32
      scf.if %cond3A_537 {
        %add3A_614 = arith.constant 3 : i32
        %add3A_615 = arith.addi %add3A_465, %add3A_614 : i32
        %add3A_616 = arith.constant 3 : i32
        %add3A_617 = arith.addi %add3A_465, %add3A_616 : i32
        %jit3A = arith.constant 6 : i32
        %eq3A = arith.constant 0 : i32
        %eq3A_618 = arith.cmpi eq, %jit3A, %eq3A : i32
        %jit3A_619 = arith.constant 1 : i32
        %select_n3A = arith.select %eq3A_618, %jit3A_619, %jit3A : i32
        %rem3A = arith.remsi %add3A_617, %select_n3A : i32
        %ne3A = arith.constant 0 : i32
        %ne3A_620 = arith.cmpi ne, %rem3A, %ne3A : i32
        %lt3A_621 = arith.constant 0 : i32
        %lt3A_622 = arith.cmpi slt, %rem3A, %lt3A_621 : i32
        %lt3A_623 = arith.constant 0 : i32
        %lt3A_624 = arith.cmpi slt, %select_n3A, %lt3A_623 : i32
        %ne3A_625 = arith.xori %lt3A_622, %lt3A_624 : i1
        %and3A = arith.andi %ne3A_625, %ne3A_620 : i1
        %add3A_626 = arith.addi %rem3A, %select_n3A : i32
        %select_n3A_627 = arith.select %and3A, %add3A_626, %rem3A : i32
        %mul3A_628 = arith.constant 25000 : i32
        %mul3A_629 = arith.muli %add3A, %mul3A_628 : i32
        %mul3A_630 = arith.constant 104 : i32
        %mul3A_631 = arith.muli %add3A_615, %mul3A_630 : i32
        %min3A_632 = arith.constant 24896 : i32
        %min3A_633 = arith.minsi %mul3A_631, %min3A_632 : i32
        %add3A_634 = arith.addi %mul3A_629, %min3A_633 : i32
        %multiple_of3A_635 = tpu.assume_multiple %add3A_634, 8 : i32
        %mul3A_636 = arith.constant 25000 : i32
        %mul3A_637 = arith.muli %add3A, %mul3A_636 : i32
        %mul3A_638 = arith.constant 104 : i32
        %mul3A_639 = arith.muli %add3A_615, %mul3A_638 : i32
        %min3A_640 = arith.constant 24896 : i32
        %min3A_641 = arith.minsi %mul3A_639, %min3A_640 : i32
        %add3A_642 = arith.addi %mul3A_637, %min3A_641 : i32
        %multiple_of3A_643 = tpu.assume_multiple %add3A_642, 8 : i32
        %dma_wait3A_644 = arith.constant 0 : i32
        %dma_wait3A_645 = tpu.memref_slice %arg6[%select_n3A_627, %dma_wait3A_644] : memref<6x104xi32, #tpu.memory_space<vmem>> -> memref<1x104xi32, #tpu.memory_space<vmem>>
        %dma_wait3A_646 = tpu.memref_squeeze %dma_wait3A_645 : memref<1x104xi32, #tpu.memory_space<vmem>> -> memref<104xi32, #tpu.memory_space<vmem>>
        %dma_wait3A_647 = tpu.memref_slice %arg3[%multiple_of3A_635] : memref<800000xi32, #tpu.memory_space<hbm>> -> memref<104xi32, #tpu.memory_space<hbm>>
        %dma_wait3A_648 = arith.constant 0 : i32
        %dma_wait3A_649 = tpu.memref_slice %arg6[%select_n3A_627, %dma_wait3A_648] : memref<6x104xi32, #tpu.memory_space<vmem>> -> memref<1x104xi32, #tpu.memory_space<vmem>>
        %dma_wait3A_650 = tpu.memref_squeeze %dma_wait3A_649 : memref<1x104xi32, #tpu.memory_space<vmem>> -> memref<104xi32, #tpu.memory_space<vmem>>
        %dma_wait3A_651 = tpu.memref_slice %arg3[%multiple_of3A_635] : memref<800000xi32, #tpu.memory_space<hbm>> -> memref<104xi32, #tpu.memory_space<hbm>>
        tpu.wait_dma2 semaphore(%arg11 : memref<!tpu.dma_semaphore, #tpu.memory_space<semaphore_mem>>) src(%dma_wait3A_651 : memref<104xi32, #tpu.memory_space<hbm>>) dst(%dma_wait3A_650 : memref<104xi32, #tpu.memory_space<vmem>>)
        %dma_wait3A_652 = arith.constant 0 : i32
        %dma_wait3A_653 = tpu.memref_slice %arg7[%select_n3A_627, %dma_wait3A_652] : memref<6x104xi32, #tpu.memory_space<vmem>> -> memref<1x104xi32, #tpu.memory_space<vmem>>
        %dma_wait3A_654 = tpu.memref_squeeze %dma_wait3A_653 : memref<1x104xi32, #tpu.memory_space<vmem>> -> memref<104xi32, #tpu.memory_space<vmem>>
        %dma_wait3A_655 = tpu.memref_slice %arg4[%multiple_of3A_643] : memref<800000xi32, #tpu.memory_space<hbm>> -> memref<104xi32, #tpu.memory_space<hbm>>
        %dma_wait3A_656 = arith.constant 0 : i32
        %dma_wait3A_657 = tpu.memref_slice %arg7[%select_n3A_627, %dma_wait3A_656] : memref<6x104xi32, #tpu.memory_space<vmem>> -> memref<1x104xi32, #tpu.memory_space<vmem>>
        %dma_wait3A_658 = tpu.memref_squeeze %dma_wait3A_657 : memref<1x104xi32, #tpu.memory_space<vmem>> -> memref<104xi32, #tpu.memory_space<vmem>>
        %dma_wait3A_659 = tpu.memref_slice %arg4[%multiple_of3A_643] : memref<800000xi32, #tpu.memory_space<hbm>> -> memref<104xi32, #tpu.memory_space<hbm>>
        tpu.wait_dma2 semaphore(%arg11 : memref<!tpu.dma_semaphore, #tpu.memory_space<semaphore_mem>>) src(%dma_wait3A_659 : memref<104xi32, #tpu.memory_space<hbm>>) dst(%dma_wait3A_658 : memref<104xi32, #tpu.memory_space<vmem>>)
        %add3A_660 = arith.constant 3 : i32
        %add3A_661 = arith.addi %add3A_465, %add3A_660 : i32
        %jit3A_662 = arith.constant 6 : i32
        %eq3A_663 = arith.constant 0 : i32
        %eq3A_664 = arith.cmpi eq, %jit3A_662, %eq3A_663 : i32
        %jit3A_665 = arith.constant 1 : i32
        %select_n3A_666 = arith.select %eq3A_664, %jit3A_665, %jit3A_662 : i32
        %rem3A_667 = arith.remsi %add3A_661, %select_n3A_666 : i32
        %ne3A_668 = arith.constant 0 : i32
        %ne3A_669 = arith.cmpi ne, %rem3A_667, %ne3A_668 : i32
        %lt3A_670 = arith.constant 0 : i32
        %lt3A_671 = arith.cmpi slt, %rem3A_667, %lt3A_670 : i32
        %lt3A_672 = arith.constant 0 : i32
        %lt3A_673 = arith.cmpi slt, %select_n3A_666, %lt3A_672 : i32
        %ne3A_674 = arith.xori %lt3A_671, %lt3A_673 : i1
        %and3A_675 = arith.andi %ne3A_674, %ne3A_669 : i1
        %add3A_676 = arith.addi %rem3A_667, %select_n3A_666 : i32
        %select_n3A_677 = arith.select %and3A_675, %add3A_676, %rem3A_667 : i32
        %dma_start3A_678 = arith.constant 1 : i32
        %dma_start3A_679 = arith.constant 0 : i32
        %dma_start3A_680 = arith.constant 0 : i32
        %dma_start3A_681 = tpu.memref_slice %arg8[%dma_start3A_678, %dma_start3A_679, %dma_start3A_680] : memref<3x104x128xf32, #tpu.memory_space<vmem>> -> memref<1x104x128xf32, #tpu.memory_space<vmem>>
        %dma_start3A_682 = tpu.memref_squeeze %dma_start3A_681 : memref<1x104x128xf32, #tpu.memory_space<vmem>> -> memref<104x128xf32, #tpu.memory_space<vmem>>
        %dma_start3A_683 = arith.constant 0 : i32
        %dma_start3A_684 = tpu.memref_slice %arg6[%select_n3A_677, %dma_start3A_683] : memref<6x104xi32, #tpu.memory_space<vmem>> -> memref<1x104xi32, #tpu.memory_space<vmem>>
        %dma_start3A_685 = tpu.memref_squeeze %dma_start3A_684 : memref<1x104xi32, #tpu.memory_space<vmem>> -> memref<104xi32, #tpu.memory_space<vmem>>
        %dma_start3A_686 = arith.constant 0 : i32
        %dma_start3A_687 = arith.constant 0 : i32
        %dma_start3A_688 = tpu.memref_slice %arg2[%dma_start3A_686, %dma_start3A_687] : memref<800000x128xf32, #tpu.memory_space<hbm>> -> memref<800000x128xf32, #tpu.memory_space<hbm>>
        tpu.enqueue_indirect_dma source(%dma_start3A_688 : memref<800000x128xf32, #tpu.memory_space<hbm>>) target(%dma_start3A_682 : memref<104x128xf32, #tpu.memory_space<vmem>>) offsets(%dma_start3A_685 : memref<104xi32, #tpu.memory_space<vmem>>) semaphore(%arg12 : memref<!tpu.dma_semaphore, #tpu.memory_space<semaphore_mem>>)
        %dma_start3A_689 = arith.constant 1 : i32
        %dma_start3A_690 = arith.constant 0 : i32
        %dma_start3A_691 = arith.constant 0 : i32
        %dma_start3A_692 = tpu.memref_slice %arg9[%dma_start3A_689, %dma_start3A_690, %dma_start3A_691] : memref<3x104x128xf32, #tpu.memory_space<vmem>> -> memref<1x104x128xf32, #tpu.memory_space<vmem>>
        %dma_start3A_693 = tpu.memref_squeeze %dma_start3A_692 : memref<1x104x128xf32, #tpu.memory_space<vmem>> -> memref<104x128xf32, #tpu.memory_space<vmem>>
        %dma_start3A_694 = arith.constant 0 : i32
        %dma_start3A_695 = tpu.memref_slice %arg7[%select_n3A_677, %dma_start3A_694] : memref<6x104xi32, #tpu.memory_space<vmem>> -> memref<1x104xi32, #tpu.memory_space<vmem>>
        %dma_start3A_696 = tpu.memref_squeeze %dma_start3A_695 : memref<1x104xi32, #tpu.memory_space<vmem>> -> memref<104xi32, #tpu.memory_space<vmem>>
        %dma_start3A_697 = arith.constant 0 : i32
        %dma_start3A_698 = arith.constant 0 : i32
        %dma_start3A_699 = tpu.memref_slice %arg2[%dma_start3A_697, %dma_start3A_698] : memref<800000x128xf32, #tpu.memory_space<hbm>> -> memref<800000x128xf32, #tpu.memory_space<hbm>>
        tpu.enqueue_indirect_dma source(%dma_start3A_699 : memref<800000x128xf32, #tpu.memory_space<hbm>>) target(%dma_start3A_693 : memref<104x128xf32, #tpu.memory_space<vmem>>) offsets(%dma_start3A_696 : memref<104xi32, #tpu.memory_space<vmem>>) semaphore(%arg13 : memref<!tpu.dma_semaphore, #tpu.memory_space<semaphore_mem>>)
      } else {
      }
      %mul3A_538 = arith.constant 3 : i32
      %mul3A_539 = arith.muli %mul3A_538, %scan3A_390 : i32
      %add3A_540 = arith.constant 2 : i32
      %add3A_541 = arith.addi %mul3A_539, %add3A_540 : i32
      %dma_wait3A_542 = arith.constant 0 : i32
      %dma_wait3A_543 = arith.constant 2 : i32
      %dma_wait3A_544 = arith.constant 0 : i32
      %dma_wait3A_545 = arith.constant 0 : i32
      %dma_wait3A_546 = tpu.memref_slice %arg8[%dma_wait3A_543, %dma_wait3A_544, %dma_wait3A_545] : memref<3x104x128xf32, #tpu.memory_space<vmem>> -> memref<1x104x128xf32, #tpu.memory_space<vmem>>
      %dma_wait3A_547 = tpu.memref_squeeze %dma_wait3A_546 : memref<1x104x128xf32, #tpu.memory_space<vmem>> -> memref<104x128xf32, #tpu.memory_space<vmem>>
      %dma_wait3A_548 = arith.constant 0 : i32
      %dma_wait3A_549 = tpu.memref_slice %arg6[%dma_wait3A_542, %dma_wait3A_548] : memref<6x104xi32, #tpu.memory_space<vmem>> -> memref<1x104xi32, #tpu.memory_space<vmem>>
      %dma_wait3A_550 = tpu.memref_squeeze %dma_wait3A_549 : memref<1x104xi32, #tpu.memory_space<vmem>> -> memref<104xi32, #tpu.memory_space<vmem>>
      %dma_wait3A_551 = arith.constant 0 : i32
      %dma_wait3A_552 = arith.constant 0 : i32
      %dma_wait3A_553 = tpu.memref_slice %arg2[%dma_wait3A_551, %dma_wait3A_552] : memref<800000x128xf32, #tpu.memory_space<hbm>> -> memref<800000x128xf32, #tpu.memory_space<hbm>>
      tpu.wait_indirect_dma semaphore(%arg12 : memref<!tpu.dma_semaphore, #tpu.memory_space<semaphore_mem>>) src(%dma_wait3A_553 : memref<800000x128xf32, #tpu.memory_space<hbm>>) dst(%dma_wait3A_547 : memref<104x128xf32, #tpu.memory_space<vmem>>)
      %dma_wait3A_554 = arith.constant 0 : i32
      %dma_wait3A_555 = arith.constant 2 : i32
      %dma_wait3A_556 = arith.constant 0 : i32
      %dma_wait3A_557 = arith.constant 0 : i32
      %dma_wait3A_558 = tpu.memref_slice %arg9[%dma_wait3A_555, %dma_wait3A_556, %dma_wait3A_557] : memref<3x104x128xf32, #tpu.memory_space<vmem>> -> memref<1x104x128xf32, #tpu.memory_space<vmem>>
      %dma_wait3A_559 = tpu.memref_squeeze %dma_wait3A_558 : memref<1x104x128xf32, #tpu.memory_space<vmem>> -> memref<104x128xf32, #tpu.memory_space<vmem>>
      %dma_wait3A_560 = arith.constant 0 : i32
      %dma_wait3A_561 = tpu.memref_slice %arg7[%dma_wait3A_554, %dma_wait3A_560] : memref<6x104xi32, #tpu.memory_space<vmem>> -> memref<1x104xi32, #tpu.memory_space<vmem>>
      %dma_wait3A_562 = tpu.memref_squeeze %dma_wait3A_561 : memref<1x104xi32, #tpu.memory_space<vmem>> -> memref<104xi32, #tpu.memory_space<vmem>>
      %dma_wait3A_563 = arith.constant 0 : i32
      %dma_wait3A_564 = arith.constant 0 : i32
      %dma_wait3A_565 = tpu.memref_slice %arg2[%dma_wait3A_563, %dma_wait3A_564] : memref<800000x128xf32, #tpu.memory_space<hbm>> -> memref<800000x128xf32, #tpu.memory_space<hbm>>
      tpu.wait_indirect_dma semaphore(%arg13 : memref<!tpu.dma_semaphore, #tpu.memory_space<semaphore_mem>>) src(%dma_wait3A_565 : memref<800000x128xf32, #tpu.memory_space<hbm>>) dst(%dma_wait3A_559 : memref<104x128xf32, #tpu.memory_space<vmem>>)
      %add3A_566 = arith.constant 6 : i32
      %add3A_567 = arith.addi %add3A_541, %add3A_566 : i32
      %sub3A_568 = arith.constant 1 : i32
      %sub3A_569 = arith.subi %add3A_567, %sub3A_568 : i32
      %lt3A_570 = arith.constant 243 : i32
      %lt3A_571 = arith.cmpi slt, %sub3A_569, %lt3A_570 : i32
      %convert_element_type3A_572 = arith.extui %lt3A_571 : i1 to i32
      %cond3A_573 = arith.constant 0 : i32
      %cond3A_574 = arith.cmpi ne, %convert_element_type3A_572, %cond3A_573 : i32
      scf.if %cond3A_574 {
        %add3A_614 = arith.constant 6 : i32
        %add3A_615 = arith.addi %add3A_541, %add3A_614 : i32
        %sub3A_616 = arith.constant 1 : i32
        %sub3A_617 = arith.subi %add3A_615, %sub3A_616 : i32
        %add3A_618 = arith.constant 6 : i32
        %add3A_619 = arith.addi %add3A_541, %add3A_618 : i32
        %sub3A_620 = arith.constant 1 : i32
        %sub3A_621 = arith.subi %add3A_619, %sub3A_620 : i32
        %jit3A = arith.constant 6 : i32
        %eq3A = arith.constant 0 : i32
        %eq3A_622 = arith.cmpi eq, %jit3A, %eq3A : i32
        %jit3A_623 = arith.constant 1 : i32
        %select_n3A = arith.select %eq3A_622, %jit3A_623, %jit3A : i32
        %rem3A = arith.remsi %sub3A_621, %select_n3A : i32
        %ne3A = arith.constant 0 : i32
        %ne3A_624 = arith.cmpi ne, %rem3A, %ne3A : i32
        %lt3A_625 = arith.constant 0 : i32
        %lt3A_626 = arith.cmpi slt, %rem3A, %lt3A_625 : i32
        %lt3A_627 = arith.constant 0 : i32
        %lt3A_628 = arith.cmpi slt, %select_n3A, %lt3A_627 : i32
        %ne3A_629 = arith.xori %lt3A_626, %lt3A_628 : i1
        %and3A = arith.andi %ne3A_629, %ne3A_624 : i1
        %add3A_630 = arith.addi %rem3A, %select_n3A : i32
        %select_n3A_631 = arith.select %and3A, %add3A_630, %rem3A : i32
        %mul3A_632 = arith.constant 25000 : i32
        %mul3A_633 = arith.muli %add3A, %mul3A_632 : i32
        %mul3A_634 = arith.constant 104 : i32
        %mul3A_635 = arith.muli %sub3A_617, %mul3A_634 : i32
        %min3A_636 = arith.constant 24896 : i32
        %min3A_637 = arith.minsi %mul3A_635, %min3A_636 : i32
        %add3A_638 = arith.addi %mul3A_633, %min3A_637 : i32
        %multiple_of3A_639 = tpu.assume_multiple %add3A_638, 8 : i32
        %mul3A_640 = arith.constant 25000 : i32
        %mul3A_641 = arith.muli %add3A, %mul3A_640 : i32
        %mul3A_642 = arith.constant 104 : i32
        %mul3A_643 = arith.muli %sub3A_617, %mul3A_642 : i32
        %min3A_644 = arith.constant 24896 : i32
        %min3A_645 = arith.minsi %mul3A_643, %min3A_644 : i32
        %add3A_646 = arith.addi %mul3A_641, %min3A_645 : i32
        %multiple_of3A_647 = tpu.assume_multiple %add3A_646, 8 : i32
        %dma_start3A_648 = arith.constant 0 : i32
        %dma_start3A_649 = tpu.memref_slice %arg6[%select_n3A_631, %dma_start3A_648] : memref<6x104xi32, #tpu.memory_space<vmem>> -> memref<1x104xi32, #tpu.memory_space<vmem>>
        %dma_start3A_650 = tpu.memref_squeeze %dma_start3A_649 : memref<1x104xi32, #tpu.memory_space<vmem>> -> memref<104xi32, #tpu.memory_space<vmem>>
        %dma_start3A_651 = tpu.memref_slice %arg3[%multiple_of3A_639] : memref<800000xi32, #tpu.memory_space<hbm>> -> memref<104xi32, #tpu.memory_space<hbm>>
        %dma_start3A_652 = arith.constant 0 : i32
        %dma_start3A_653 = tpu.memref_slice %arg6[%select_n3A_631, %dma_start3A_652] : memref<6x104xi32, #tpu.memory_space<vmem>> -> memref<1x104xi32, #tpu.memory_space<vmem>>
        %dma_start3A_654 = tpu.memref_squeeze %dma_start3A_653 : memref<1x104xi32, #tpu.memory_space<vmem>> -> memref<104xi32, #tpu.memory_space<vmem>>
        %dma_start3A_655 = tpu.memref_slice %arg3[%multiple_of3A_639] : memref<800000xi32, #tpu.memory_space<hbm>> -> memref<104xi32, #tpu.memory_space<hbm>>
        tpu.enqueue_dma source(%dma_start3A_655 : memref<104xi32, #tpu.memory_space<hbm>>) target(%dma_start3A_654 : memref<104xi32, #tpu.memory_space<vmem>>) target_semaphore(%arg11 : memref<!tpu.dma_semaphore, #tpu.memory_space<semaphore_mem>>)
        %dma_start3A_656 = arith.constant 0 : i32
        %dma_start3A_657 = tpu.memref_slice %arg7[%select_n3A_631, %dma_start3A_656] : memref<6x104xi32, #tpu.memory_space<vmem>> -> memref<1x104xi32, #tpu.memory_space<vmem>>
        %dma_start3A_658 = tpu.memref_squeeze %dma_start3A_657 : memref<1x104xi32, #tpu.memory_space<vmem>> -> memref<104xi32, #tpu.memory_space<vmem>>
        %dma_start3A_659 = tpu.memref_slice %arg4[%multiple_of3A_647] : memref<800000xi32, #tpu.memory_space<hbm>> -> memref<104xi32, #tpu.memory_space<hbm>>
        %dma_start3A_660 = arith.constant 0 : i32
        %dma_start3A_661 = tpu.memref_slice %arg7[%select_n3A_631, %dma_start3A_660] : memref<6x104xi32, #tpu.memory_space<vmem>> -> memref<1x104xi32, #tpu.memory_space<vmem>>
        %dma_start3A_662 = tpu.memref_squeeze %dma_start3A_661 : memref<1x104xi32, #tpu.memory_space<vmem>> -> memref<104xi32, #tpu.memory_space<vmem>>
        %dma_start3A_663 = tpu.memref_slice %arg4[%multiple_of3A_647] : memref<800000xi32, #tpu.memory_space<hbm>> -> memref<104xi32, #tpu.memory_space<hbm>>
        tpu.enqueue_dma source(%dma_start3A_663 : memref<104xi32, #tpu.memory_space<hbm>>) target(%dma_start3A_662 : memref<104xi32, #tpu.memory_space<vmem>>) target_semaphore(%arg11 : memref<!tpu.dma_semaphore, #tpu.memory_space<semaphore_mem>>)
      } else {
      }
      %ge3A_575 = arith.constant 3 : i32
      %ge3A_576 = arith.cmpi sge, %add3A_541, %ge3A_575 : i32
      %convert_element_type3A_577 = arith.extui %ge3A_576 : i1 to i32
      %cond3A_578 = arith.constant 0 : i32
      %cond3A_579 = arith.cmpi ne, %convert_element_type3A_577, %cond3A_578 : i32
      scf.if %cond3A_579 {
        %sub3A_614 = arith.constant 3 : i32
        %sub3A_615 = arith.subi %add3A_541, %sub3A_614 : i32
        %mul3A_616 = arith.constant 25000 : i32
        %mul3A_617 = arith.muli %add3A, %mul3A_616 : i32
        %mul3A_618 = arith.constant 104 : i32
        %mul3A_619 = arith.muli %sub3A_615, %mul3A_618 : i32
        %min3A_620 = arith.constant 24896 : i32
        %min3A_621 = arith.minsi %mul3A_619, %min3A_620 : i32
        %add3A_622 = arith.addi %mul3A_617, %min3A_621 : i32
        %multiple_of3A_623 = tpu.assume_multiple %add3A_622, 8 : i32
        %dma_wait3A_624 = arith.constant 2 : i32
        %dma_wait3A_625 = arith.constant 0 : i32
        %dma_wait3A_626 = arith.constant 0 : i32
        %dma_wait3A_627 = tpu.memref_slice %arg10[%dma_wait3A_624, %dma_wait3A_625, %dma_wait3A_626] : memref<3x104x64xf32, #tpu.memory_space<vmem>> -> memref<1x104x64xf32, #tpu.memory_space<vmem>>
        %dma_wait3A_628 = tpu.memref_squeeze %dma_wait3A_627 : memref<1x104x64xf32, #tpu.memory_space<vmem>> -> memref<104x64xf32, #tpu.memory_space<vmem>>
        %dma_wait3A_629 = arith.constant 0 : i32
        %dma_wait3A_630 = tpu.memref_slice %arg5[%multiple_of3A_623, %dma_wait3A_629] : memref<800000x64xf32, #tpu.memory_space<hbm>> -> memref<104x64xf32, #tpu.memory_space<hbm>>
        %dma_wait3A_631 = arith.constant 0 : i32
        %dma_wait3A_632 = tpu.memref_slice %arg5[%multiple_of3A_623, %dma_wait3A_631] : memref<800000x64xf32, #tpu.memory_space<hbm>> -> memref<104x64xf32, #tpu.memory_space<hbm>>
        %dma_wait3A_633 = arith.constant 0 : i32
        %dma_wait3A_634 = arith.constant 0 : i32
        %dma_wait3A_635 = tpu.memref_slice %arg10[%dma_wait3A_624, %dma_wait3A_633, %dma_wait3A_634] : memref<3x104x64xf32, #tpu.memory_space<vmem>> -> memref<1x104x64xf32, #tpu.memory_space<vmem>>
        %dma_wait3A_636 = tpu.memref_squeeze %dma_wait3A_635 : memref<1x104x64xf32, #tpu.memory_space<vmem>> -> memref<104x64xf32, #tpu.memory_space<vmem>>
        tpu.wait_dma2 semaphore(%arg14 : memref<!tpu.dma_semaphore, #tpu.memory_space<semaphore_mem>>) src(%dma_wait3A_636 : memref<104x64xf32, #tpu.memory_space<vmem>>) dst(%dma_wait3A_632 : memref<104x64xf32, #tpu.memory_space<hbm>>)
      } else {
      }
      %scan3A_580 = arith.constant 0 : i32
      %scan3A_581 = arith.constant 0 : i32
      %scan3A_582 = arith.constant 104 : i32
      %scan3A_583 = arith.addi %scan3A_581, %scan3A_582 : i32
      %scan3A_584 = arith.constant 1 : i32
      scf.for %scan3A_614 = %scan3A_581 to %scan3A_583 step %scan3A_584  : i32 {
        %get3A = arith.constant 2 : i32
        %get3A_615 = arith.index_cast %get3A : i32 to index
        %get3A_616 = arith.index_cast %scan3A_614 : i32 to index
        %get3A_617 = arith.constant 0 : index
        %get3A_618 = tpu.vector_load %arg8[%get3A_615, %get3A_616, %get3A_617] {strides = array<i32>} : memref<3x104x128xf32, #tpu.memory_space<vmem>>, vector<1x1x16xf32>,
        %get3A_619 = vector.shape_cast %get3A_618 : vector<1x1x16xf32> to vector<16xf32>
        %get3A_620 = arith.constant 2 : i32
        %get3A_621 = arith.index_cast %get3A_620 : i32 to index
        %get3A_622 = arith.index_cast %scan3A_614 : i32 to index
        %get3A_623 = arith.constant 64 : index
        %get3A_624 = tpu.vector_load %arg9[%get3A_621, %get3A_622, %get3A_623] {strides = array<i32>} : memref<3x104x128xf32, #tpu.memory_space<vmem>>, vector<1x1x16xf32>,
        %get3A_625 = vector.shape_cast %get3A_624 : vector<1x1x16xf32> to vector<16xf32>
        %add3A_626 = arith.addf %get3A_619, %get3A_625 : vector<16xf32>
        %swap3A = arith.constant 2 : i32
        %swap3A_627 = arith.index_cast %swap3A : i32 to index
        %swap3A_628 = arith.index_cast %scan3A_614 : i32 to index
        %swap3A_629 = arith.constant 0 : index
        %swap3A_630 = tpu.vector_load %arg10[%swap3A_627, %swap3A_628, %swap3A_629] {strides = array<i32>} : memref<3x104x64xf32, #tpu.memory_space<vmem>>, vector<1x1x16xf32>,
        %swap3A_631 = vector.shape_cast %swap3A_630 : vector<1x1x16xf32> to vector<16xf32>
        %swap3A_632 = vector.shape_cast %add3A_626 : vector<16xf32> to vector<1x1x16xf32>
        tpu.vector_store %arg10[%swap3A_627, %swap3A_628, %swap3A_629], %swap3A_632 {strides = array<i32>} : memref<3x104x64xf32, #tpu.memory_space<vmem>>, vector<1x1x16xf32>,
        %get3A_633 = arith.constant 2 : i32
        %get3A_634 = arith.index_cast %get3A_633 : i32 to index
        %get3A_635 = arith.index_cast %scan3A_614 : i32 to index
        %get3A_636 = arith.constant 16 : index
        %get3A_637 = tpu.vector_load %arg8[%get3A_634, %get3A_635, %get3A_636] {strides = array<i32>} : memref<3x104x128xf32, #tpu.memory_space<vmem>>, vector<1x1x16xf32>,
        %get3A_638 = vector.shape_cast %get3A_637 : vector<1x1x16xf32> to vector<16xf32>
        %get3A_639 = arith.constant 2 : i32
        %get3A_640 = arith.index_cast %get3A_639 : i32 to index
        %get3A_641 = arith.index_cast %scan3A_614 : i32 to index
        %get3A_642 = arith.constant 80 : index
        %get3A_643 = tpu.vector_load %arg9[%get3A_640, %get3A_641, %get3A_642] {strides = array<i32>} : memref<3x104x128xf32, #tpu.memory_space<vmem>>, vector<1x1x16xf32>,
        %get3A_644 = vector.shape_cast %get3A_643 : vector<1x1x16xf32> to vector<16xf32>
        %add3A_645 = arith.addf %get3A_638, %get3A_644 : vector<16xf32>
        %swap3A_646 = arith.constant 2 : i32
        %swap3A_647 = arith.index_cast %swap3A_646 : i32 to index
        %swap3A_648 = arith.index_cast %scan3A_614 : i32 to index
        %swap3A_649 = arith.constant 16 : index
        %swap3A_650 = tpu.vector_load %arg10[%swap3A_647, %swap3A_648, %swap3A_649] {strides = array<i32>} : memref<3x104x64xf32, #tpu.memory_space<vmem>>, vector<1x1x16xf32>,
        %swap3A_651 = vector.shape_cast %swap3A_650 : vector<1x1x16xf32> to vector<16xf32>
        %swap3A_652 = vector.shape_cast %add3A_645 : vector<16xf32> to vector<1x1x16xf32>
        tpu.vector_store %arg10[%swap3A_647, %swap3A_648, %swap3A_649], %swap3A_652 {strides = array<i32>} : memref<3x104x64xf32, #tpu.memory_space<vmem>>, vector<1x1x16xf32>,
        %get3A_653 = arith.constant 2 : i32
        %get3A_654 = arith.index_cast %get3A_653 : i32 to index
        %get3A_655 = arith.index_cast %scan3A_614 : i32 to index
        %get3A_656 = arith.constant 32 : index
        %get3A_657 = tpu.vector_load %arg8[%get3A_654, %get3A_655, %get3A_656] {strides = array<i32>} : memref<3x104x128xf32, #tpu.memory_space<vmem>>, vector<1x1x16xf32>,
        %get3A_658 = vector.shape_cast %get3A_657 : vector<1x1x16xf32> to vector<16xf32>
        %get3A_659 = arith.constant 2 : i32
        %get3A_660 = arith.index_cast %get3A_659 : i32 to index
        %get3A_661 = arith.index_cast %scan3A_614 : i32 to index
        %get3A_662 = arith.constant 96 : index
        %get3A_663 = tpu.vector_load %arg9[%get3A_660, %get3A_661, %get3A_662] {strides = array<i32>} : memref<3x104x128xf32, #tpu.memory_space<vmem>>, vector<1x1x16xf32>,
        %get3A_664 = vector.shape_cast %get3A_663 : vector<1x1x16xf32> to vector<16xf32>
        %add3A_665 = arith.addf %get3A_658, %get3A_664 : vector<16xf32>
        %swap3A_666 = arith.constant 2 : i32
        %swap3A_667 = arith.index_cast %swap3A_666 : i32 to index
        %swap3A_668 = arith.index_cast %scan3A_614 : i32 to index
        %swap3A_669 = arith.constant 32 : index
        %swap3A_670 = tpu.vector_load %arg10[%swap3A_667, %swap3A_668, %swap3A_669] {strides = array<i32>} : memref<3x104x64xf32, #tpu.memory_space<vmem>>, vector<1x1x16xf32>,
        %swap3A_671 = vector.shape_cast %swap3A_670 : vector<1x1x16xf32> to vector<16xf32>
        %swap3A_672 = vector.shape_cast %add3A_665 : vector<16xf32> to vector<1x1x16xf32>
        tpu.vector_store %arg10[%swap3A_667, %swap3A_668, %swap3A_669], %swap3A_672 {strides = array<i32>} : memref<3x104x64xf32, #tpu.memory_space<vmem>>, vector<1x1x16xf32>,
        %get3A_673 = arith.constant 2 : i32
        %get3A_674 = arith.index_cast %get3A_673 : i32 to index
        %get3A_675 = arith.index_cast %scan3A_614 : i32 to index
        %get3A_676 = arith.constant 48 : index
        %get3A_677 = tpu.vector_load %arg8[%get3A_674, %get3A_675, %get3A_676] {strides = array<i32>} : memref<3x104x128xf32, #tpu.memory_space<vmem>>, vector<1x1x16xf32>,
        %get3A_678 = vector.shape_cast %get3A_677 : vector<1x1x16xf32> to vector<16xf32>
        %get3A_679 = arith.constant 2 : i32
        %get3A_680 = arith.index_cast %get3A_679 : i32 to index
        %get3A_681 = arith.index_cast %scan3A_614 : i32 to index
        %get3A_682 = arith.constant 112 : index
        %get3A_683 = tpu.vector_load %arg9[%get3A_680, %get3A_681, %get3A_682] {strides = array<i32>} : memref<3x104x128xf32, #tpu.memory_space<vmem>>, vector<1x1x16xf32>,
        %get3A_684 = vector.shape_cast %get3A_683 : vector<1x1x16xf32> to vector<16xf32>
        %add3A_685 = arith.addf %get3A_678, %get3A_684 : vector<16xf32>
        %swap3A_686 = arith.constant 2 : i32
        %swap3A_687 = arith.index_cast %swap3A_686 : i32 to index
        %swap3A_688 = arith.index_cast %scan3A_614 : i32 to index
        %swap3A_689 = arith.constant 48 : index
        %swap3A_690 = tpu.vector_load %arg10[%swap3A_687, %swap3A_688, %swap3A_689] {strides = array<i32>} : memref<3x104x64xf32, #tpu.memory_space<vmem>>, vector<1x1x16xf32>,
        %swap3A_691 = vector.shape_cast %swap3A_690 : vector<1x1x16xf32> to vector<16xf32>
        %swap3A_692 = vector.shape_cast %add3A_685 : vector<16xf32> to vector<1x1x16xf32>
        tpu.vector_store %arg10[%swap3A_687, %swap3A_688, %swap3A_689], %swap3A_692 {strides = array<i32>} : memref<3x104x64xf32, #tpu.memory_space<vmem>>, vector<1x1x16xf32>,
      }
      %scan3A_585 = arith.constant 104 : i32
      %mul3A_586 = arith.constant 25000 : i32
      %mul3A_587 = arith.muli %add3A, %mul3A_586 : i32
      %mul3A_588 = arith.constant 104 : i32
      %mul3A_589 = arith.muli %add3A_541, %mul3A_588 : i32
      %min3A_590 = arith.constant 24896 : i32
      %min3A_591 = arith.minsi %mul3A_589, %min3A_590 : i32
      %add3A_592 = arith.addi %mul3A_587, %min3A_591 : i32
      %multiple_of3A_593 = tpu.assume_multiple %add3A_592, 8 : i32
      %dma_start3A_594 = arith.constant 2 : i32
      %dma_start3A_595 = arith.constant 0 : i32
      %dma_start3A_596 = arith.constant 0 : i32
      %dma_start3A_597 = tpu.memref_slice %arg10[%dma_start3A_594, %dma_start3A_595, %dma_start3A_596] : memref<3x104x64xf32, #tpu.memory_space<vmem>> -> memref<1x104x64xf32, #tpu.memory_space<vmem>>
      %dma_start3A_598 = tpu.memref_squeeze %dma_start3A_597 : memref<1x104x64xf32, #tpu.memory_space<vmem>> -> memref<104x64xf32, #tpu.memory_space<vmem>>
      %dma_start3A_599 = arith.constant 0 : i32
      %dma_start3A_600 = tpu.memref_slice %arg5[%multiple_of3A_593, %dma_start3A_599] : memref<800000x64xf32, #tpu.memory_space<hbm>> -> memref<104x64xf32, #tpu.memory_space<hbm>>
      %dma_start3A_601 = arith.constant 0 : i32
      %dma_start3A_602 = tpu.memref_slice %arg5[%multiple_of3A_593, %dma_start3A_601] : memref<800000x64xf32, #tpu.memory_space<hbm>> -> memref<104x64xf32, #tpu.memory_space<hbm>>
      %dma_start3A_603 = arith.constant 0 : i32
      %dma_start3A_604 = arith.constant 0 : i32
      %dma_start3A_605 = tpu.memref_slice %arg10[%dma_start3A_594, %dma_start3A_603, %dma_start3A_604] : memref<3x104x64xf32, #tpu.memory_space<vmem>> -> memref<1x104x64xf32, #tpu.memory_space<vmem>>
      %dma_start3A_606 = tpu.memref_squeeze %dma_start3A_605 : memref<1x104x64xf32, #tpu.memory_space<vmem>> -> memref<104x64xf32, #tpu.memory_space<vmem>>
      tpu.enqueue_dma source(%dma_start3A_606 : memref<104x64xf32, #tpu.memory_space<vmem>>) target(%dma_start3A_602 : memref<104x64xf32, #tpu.memory_space<hbm>>) target_semaphore(%arg14 : memref<!tpu.dma_semaphore, #tpu.memory_space<semaphore_mem>>)
      %add3A_607 = arith.constant 3 : i32
      %add3A_608 = arith.addi %add3A_541, %add3A_607 : i32
      %lt3A_609 = arith.constant 243 : i32
      %lt3A_610 = arith.cmpi slt, %add3A_608, %lt3A_609 : i32
      %convert_element_type3A_611 = arith.extui %lt3A_610 : i1 to i32
      %cond3A_612 = arith.constant 0 : i32
      %cond3A_613 = arith.cmpi ne, %convert_element_type3A_611, %cond3A_612 : i32
      scf.if %cond3A_613 {
        %add3A_614 = arith.constant 3 : i32
        %add3A_615 = arith.addi %add3A_541, %add3A_614 : i32
        %add3A_616 = arith.constant 3 : i32
        %add3A_617 = arith.addi %add3A_541, %add3A_616 : i32
        %jit3A = arith.constant 6 : i32
        %eq3A = arith.constant 0 : i32
        %eq3A_618 = arith.cmpi eq, %jit3A, %eq3A : i32
        %jit3A_619 = arith.constant 1 : i32
        %select_n3A = arith.select %eq3A_618, %jit3A_619, %jit3A : i32
        %rem3A = arith.remsi %add3A_617, %select_n3A : i32
        %ne3A = arith.constant 0 : i32
        %ne3A_620 = arith.cmpi ne, %rem3A, %ne3A : i32
        %lt3A_621 = arith.constant 0 : i32
        %lt3A_622 = arith.cmpi slt, %rem3A, %lt3A_621 : i32
        %lt3A_623 = arith.constant 0 : i32
        %lt3A_624 = arith.cmpi slt, %select_n3A, %lt3A_623 : i32
        %ne3A_625 = arith.xori %lt3A_622, %lt3A_624 : i1
        %and3A = arith.andi %ne3A_625, %ne3A_620 : i1
        %add3A_626 = arith.addi %rem3A, %select_n3A : i32
        %select_n3A_627 = arith.select %and3A, %add3A_626, %rem3A : i32
        %mul3A_628 = arith.constant 25000 : i32
        %mul3A_629 = arith.muli %add3A, %mul3A_628 : i32
        %mul3A_630 = arith.constant 104 : i32
        %mul3A_631 = arith.muli %add3A_615, %mul3A_630 : i32
        %min3A_632 = arith.constant 24896 : i32
        %min3A_633 = arith.minsi %mul3A_631, %min3A_632 : i32
        %add3A_634 = arith.addi %mul3A_629, %min3A_633 : i32
        %multiple_of3A_635 = tpu.assume_multiple %add3A_634, 8 : i32
        %mul3A_636 = arith.constant 25000 : i32
        %mul3A_637 = arith.muli %add3A, %mul3A_636 : i32
        %mul3A_638 = arith.constant 104 : i32
        %mul3A_639 = arith.muli %add3A_615, %mul3A_638 : i32
        %min3A_640 = arith.constant 24896 : i32
        %min3A_641 = arith.minsi %mul3A_639, %min3A_640 : i32
        %add3A_642 = arith.addi %mul3A_637, %min3A_641 : i32
        %multiple_of3A_643 = tpu.assume_multiple %add3A_642, 8 : i32
        %dma_wait3A_644 = arith.constant 0 : i32
        %dma_wait3A_645 = tpu.memref_slice %arg6[%select_n3A_627, %dma_wait3A_644] : memref<6x104xi32, #tpu.memory_space<vmem>> -> memref<1x104xi32, #tpu.memory_space<vmem>>
        %dma_wait3A_646 = tpu.memref_squeeze %dma_wait3A_645 : memref<1x104xi32, #tpu.memory_space<vmem>> -> memref<104xi32, #tpu.memory_space<vmem>>
        %dma_wait3A_647 = tpu.memref_slice %arg3[%multiple_of3A_635] : memref<800000xi32, #tpu.memory_space<hbm>> -> memref<104xi32, #tpu.memory_space<hbm>>
        %dma_wait3A_648 = arith.constant 0 : i32
        %dma_wait3A_649 = tpu.memref_slice %arg6[%select_n3A_627, %dma_wait3A_648] : memref<6x104xi32, #tpu.memory_space<vmem>> -> memref<1x104xi32, #tpu.memory_space<vmem>>
        %dma_wait3A_650 = tpu.memref_squeeze %dma_wait3A_649 : memref<1x104xi32, #tpu.memory_space<vmem>> -> memref<104xi32, #tpu.memory_space<vmem>>
        %dma_wait3A_651 = tpu.memref_slice %arg3[%multiple_of3A_635] : memref<800000xi32, #tpu.memory_space<hbm>> -> memref<104xi32, #tpu.memory_space<hbm>>
        tpu.wait_dma2 semaphore(%arg11 : memref<!tpu.dma_semaphore, #tpu.memory_space<semaphore_mem>>) src(%dma_wait3A_651 : memref<104xi32, #tpu.memory_space<hbm>>) dst(%dma_wait3A_650 : memref<104xi32, #tpu.memory_space<vmem>>)
        %dma_wait3A_652 = arith.constant 0 : i32
        %dma_wait3A_653 = tpu.memref_slice %arg7[%select_n3A_627, %dma_wait3A_652] : memref<6x104xi32, #tpu.memory_space<vmem>> -> memref<1x104xi32, #tpu.memory_space<vmem>>
        %dma_wait3A_654 = tpu.memref_squeeze %dma_wait3A_653 : memref<1x104xi32, #tpu.memory_space<vmem>> -> memref<104xi32, #tpu.memory_space<vmem>>
        %dma_wait3A_655 = tpu.memref_slice %arg4[%multiple_of3A_643] : memref<800000xi32, #tpu.memory_space<hbm>> -> memref<104xi32, #tpu.memory_space<hbm>>
        %dma_wait3A_656 = arith.constant 0 : i32
        %dma_wait3A_657 = tpu.memref_slice %arg7[%select_n3A_627, %dma_wait3A_656] : memref<6x104xi32, #tpu.memory_space<vmem>> -> memref<1x104xi32, #tpu.memory_space<vmem>>
        %dma_wait3A_658 = tpu.memref_squeeze %dma_wait3A_657 : memref<1x104xi32, #tpu.memory_space<vmem>> -> memref<104xi32, #tpu.memory_space<vmem>>
        %dma_wait3A_659 = tpu.memref_slice %arg4[%multiple_of3A_643] : memref<800000xi32, #tpu.memory_space<hbm>> -> memref<104xi32, #tpu.memory_space<hbm>>
        tpu.wait_dma2 semaphore(%arg11 : memref<!tpu.dma_semaphore, #tpu.memory_space<semaphore_mem>>) src(%dma_wait3A_659 : memref<104xi32, #tpu.memory_space<hbm>>) dst(%dma_wait3A_658 : memref<104xi32, #tpu.memory_space<vmem>>)
        %add3A_660 = arith.constant 3 : i32
        %add3A_661 = arith.addi %add3A_541, %add3A_660 : i32
        %jit3A_662 = arith.constant 6 : i32
        %eq3A_663 = arith.constant 0 : i32
        %eq3A_664 = arith.cmpi eq, %jit3A_662, %eq3A_663 : i32
        %jit3A_665 = arith.constant 1 : i32
        %select_n3A_666 = arith.select %eq3A_664, %jit3A_665, %jit3A_662 : i32
        %rem3A_667 = arith.remsi %add3A_661, %select_n3A_666 : i32
        %ne3A_668 = arith.constant 0 : i32
        %ne3A_669 = arith.cmpi ne, %rem3A_667, %ne3A_668 : i32
        %lt3A_670 = arith.constant 0 : i32
        %lt3A_671 = arith.cmpi slt, %rem3A_667, %lt3A_670 : i32
        %lt3A_672 = arith.constant 0 : i32
        %lt3A_673 = arith.cmpi slt, %select_n3A_666, %lt3A_672 : i32
        %ne3A_674 = arith.xori %lt3A_671, %lt3A_673 : i1
        %and3A_675 = arith.andi %ne3A_674, %ne3A_669 : i1
        %add3A_676 = arith.addi %rem3A_667, %select_n3A_666 : i32
        %select_n3A_677 = arith.select %and3A_675, %add3A_676, %rem3A_667 : i32
        %dma_start3A_678 = arith.constant 2 : i32
        %dma_start3A_679 = arith.constant 0 : i32
        %dma_start3A_680 = arith.constant 0 : i32
        %dma_start3A_681 = tpu.memref_slice %arg8[%dma_start3A_678, %dma_start3A_679, %dma_start3A_680] : memref<3x104x128xf32, #tpu.memory_space<vmem>> -> memref<1x104x128xf32, #tpu.memory_space<vmem>>
        %dma_start3A_682 = tpu.memref_squeeze %dma_start3A_681 : memref<1x104x128xf32, #tpu.memory_space<vmem>> -> memref<104x128xf32, #tpu.memory_space<vmem>>
        %dma_start3A_683 = arith.constant 0 : i32
        %dma_start3A_684 = tpu.memref_slice %arg6[%select_n3A_677, %dma_start3A_683] : memref<6x104xi32, #tpu.memory_space<vmem>> -> memref<1x104xi32, #tpu.memory_space<vmem>>
        %dma_start3A_685 = tpu.memref_squeeze %dma_start3A_684 : memref<1x104xi32, #tpu.memory_space<vmem>> -> memref<104xi32, #tpu.memory_space<vmem>>
        %dma_start3A_686 = arith.constant 0 : i32
        %dma_start3A_687 = arith.constant 0 : i32
        %dma_start3A_688 = tpu.memref_slice %arg2[%dma_start3A_686, %dma_start3A_687] : memref<800000x128xf32, #tpu.memory_space<hbm>> -> memref<800000x128xf32, #tpu.memory_space<hbm>>
        tpu.enqueue_indirect_dma source(%dma_start3A_688 : memref<800000x128xf32, #tpu.memory_space<hbm>>) target(%dma_start3A_682 : memref<104x128xf32, #tpu.memory_space<vmem>>) offsets(%dma_start3A_685 : memref<104xi32, #tpu.memory_space<vmem>>) semaphore(%arg12 : memref<!tpu.dma_semaphore, #tpu.memory_space<semaphore_mem>>)
        %dma_start3A_689 = arith.constant 2 : i32
        %dma_start3A_690 = arith.constant 0 : i32
        %dma_start3A_691 = arith.constant 0 : i32
        %dma_start3A_692 = tpu.memref_slice %arg9[%dma_start3A_689, %dma_start3A_690, %dma_start3A_691] : memref<3x104x128xf32, #tpu.memory_space<vmem>> -> memref<1x104x128xf32, #tpu.memory_space<vmem>>
        %dma_start3A_693 = tpu.memref_squeeze %dma_start3A_692 : memref<1x104x128xf32, #tpu.memory_space<vmem>> -> memref<104x128xf32, #tpu.memory_space<vmem>>
        %dma_start3A_694 = arith.constant 0 : i32
        %dma_start3A_695 = tpu.memref_slice %arg7[%select_n3A_677, %dma_start3A_694] : memref<6x104xi32, #tpu.memory_space<vmem>> -> memref<1x104xi32, #tpu.memory_space<vmem>>
        %dma_start3A_696 = tpu.memref_squeeze %dma_start3A_695 : memref<1x104xi32, #tpu.memory_space<vmem>> -> memref<104xi32, #tpu.memory_space<vmem>>
        %dma_start3A_697 = arith.constant 0 : i32
        %dma_start3A_698 = arith.constant 0 : i32
        %dma_start3A_699 = tpu.memref_slice %arg2[%dma_start3A_697, %dma_start3A_698] : memref<800000x128xf32, #tpu.memory_space<hbm>> -> memref<800000x128xf32, #tpu.memory_space<hbm>>
        tpu.enqueue_indirect_dma source(%dma_start3A_699 : memref<800000x128xf32, #tpu.memory_space<hbm>>) target(%dma_start3A_693 : memref<104x128xf32, #tpu.memory_space<vmem>>) offsets(%dma_start3A_696 : memref<104xi32, #tpu.memory_space<vmem>>) semaphore(%arg13 : memref<!tpu.dma_semaphore, #tpu.memory_space<semaphore_mem>>)
      } else {
      }
    }
    %scan3A_329 = arith.constant 81 : i32
    %mul3A_330 = arith.constant 25000 : i32
    %mul3A_331 = arith.muli %add3A, %mul3A_330 : i32
    %min3A_332 = arith.constant 24960 : i32
    %min3A_333 = arith.constant 24896 : i32
    %min3A_334 = arith.minsi %min3A_332, %min3A_333 : i32
    %add3A_335 = arith.addi %mul3A_331, %min3A_334 : i32
    %multiple_of3A_336 = tpu.assume_multiple %add3A_335, 8 : i32
    %dma_wait3A_337 = arith.constant 0 : i32
    %dma_wait3A_338 = arith.constant 0 : i32
    %dma_wait3A_339 = arith.constant 0 : i32
    %dma_wait3A_340 = tpu.memref_slice %arg10[%dma_wait3A_337, %dma_wait3A_338, %dma_wait3A_339] : memref<3x104x64xf32, #tpu.memory_space<vmem>> -> memref<1x104x64xf32, #tpu.memory_space<vmem>>
    %dma_wait3A_341 = tpu.memref_squeeze %dma_wait3A_340 : memref<1x104x64xf32, #tpu.memory_space<vmem>> -> memref<104x64xf32, #tpu.memory_space<vmem>>
    %dma_wait3A_342 = arith.constant 0 : i32
    %dma_wait3A_343 = tpu.memref_slice %arg5[%multiple_of3A_336, %dma_wait3A_342] : memref<800000x64xf32, #tpu.memory_space<hbm>> -> memref<104x64xf32, #tpu.memory_space<hbm>>
    %dma_wait3A_344 = arith.constant 0 : i32
    %dma_wait3A_345 = tpu.memref_slice %arg5[%multiple_of3A_336, %dma_wait3A_344] : memref<800000x64xf32, #tpu.memory_space<hbm>> -> memref<104x64xf32, #tpu.memory_space<hbm>>
    %dma_wait3A_346 = arith.constant 0 : i32
    %dma_wait3A_347 = arith.constant 0 : i32
    %dma_wait3A_348 = tpu.memref_slice %arg10[%dma_wait3A_337, %dma_wait3A_346, %dma_wait3A_347] : memref<3x104x64xf32, #tpu.memory_space<vmem>> -> memref<1x104x64xf32, #tpu.memory_space<vmem>>
    %dma_wait3A_349 = tpu.memref_squeeze %dma_wait3A_348 : memref<1x104x64xf32, #tpu.memory_space<vmem>> -> memref<104x64xf32, #tpu.memory_space<vmem>>
    tpu.wait_dma2 semaphore(%arg14 : memref<!tpu.dma_semaphore, #tpu.memory_space<semaphore_mem>>) src(%dma_wait3A_349 : memref<104x64xf32, #tpu.memory_space<vmem>>) dst(%dma_wait3A_345 : memref<104x64xf32, #tpu.memory_space<hbm>>)
    %mul3A_350 = arith.constant 25000 : i32
    %mul3A_351 = arith.muli %add3A, %mul3A_350 : i32
    %min3A_352 = arith.constant 25064 : i32
    %min3A_353 = arith.constant 24896 : i32
    %min3A_354 = arith.minsi %min3A_352, %min3A_353 : i32
    %add3A_355 = arith.addi %mul3A_351, %min3A_354 : i32
    %multiple_of3A_356 = tpu.assume_multiple %add3A_355, 8 : i32
    %dma_wait3A_357 = arith.constant 1 : i32
    %dma_wait3A_358 = arith.constant 0 : i32
    %dma_wait3A_359 = arith.constant 0 : i32
    %dma_wait3A_360 = tpu.memref_slice %arg10[%dma_wait3A_357, %dma_wait3A_358, %dma_wait3A_359] : memref<3x104x64xf32, #tpu.memory_space<vmem>> -> memref<1x104x64xf32, #tpu.memory_space<vmem>>
    %dma_wait3A_361 = tpu.memref_squeeze %dma_wait3A_360 : memref<1x104x64xf32, #tpu.memory_space<vmem>> -> memref<104x64xf32, #tpu.memory_space<vmem>>
    %dma_wait3A_362 = arith.constant 0 : i32
    %dma_wait3A_363 = tpu.memref_slice %arg5[%multiple_of3A_356, %dma_wait3A_362] : memref<800000x64xf32, #tpu.memory_space<hbm>> -> memref<104x64xf32, #tpu.memory_space<hbm>>
    %dma_wait3A_364 = arith.constant 0 : i32
    %dma_wait3A_365 = tpu.memref_slice %arg5[%multiple_of3A_356, %dma_wait3A_364] : memref<800000x64xf32, #tpu.memory_space<hbm>> -> memref<104x64xf32, #tpu.memory_space<hbm>>
    %dma_wait3A_366 = arith.constant 0 : i32
    %dma_wait3A_367 = arith.constant 0 : i32
    %dma_wait3A_368 = tpu.memref_slice %arg10[%dma_wait3A_357, %dma_wait3A_366, %dma_wait3A_367] : memref<3x104x64xf32, #tpu.memory_space<vmem>> -> memref<1x104x64xf32, #tpu.memory_space<vmem>>
    %dma_wait3A_369 = tpu.memref_squeeze %dma_wait3A_368 : memref<1x104x64xf32, #tpu.memory_space<vmem>> -> memref<104x64xf32, #tpu.memory_space<vmem>>
    tpu.wait_dma2 semaphore(%arg14 : memref<!tpu.dma_semaphore, #tpu.memory_space<semaphore_mem>>) src(%dma_wait3A_369 : memref<104x64xf32, #tpu.memory_space<vmem>>) dst(%dma_wait3A_365 : memref<104x64xf32, #tpu.memory_space<hbm>>)
    %mul3A_370 = arith.constant 25000 : i32
    %mul3A_371 = arith.muli %add3A, %mul3A_370 : i32
    %min3A_372 = arith.constant 25168 : i32
    %min3A_373 = arith.constant 24896 : i32
    %min3A_374 = arith.minsi %min3A_372, %min3A_373 : i32
    %add3A_375 = arith.addi %mul3A_371, %min3A_374 : i32
    %multiple_of3A_376 = tpu.assume_multiple %add3A_375, 8 : i32
    %dma_wait3A_377 = arith.constant 2 : i32
    %dma_wait3A_378 = arith.constant 0 : i32
    %dma_wait3A_379 = arith.constant 0 : i32
    %dma_wait3A_380 = tpu.memref_slice %arg10[%dma_wait3A_377, %dma_wait3A_378, %dma_wait3A_379] : memref<3x104x64xf32, #tpu.memory_space<vmem>> -> memref<1x104x64xf32, #tpu.memory_space<vmem>>
    %dma_wait3A_381 = tpu.memref_squeeze %dma_wait3A_380 : memref<1x104x64xf32, #tpu.memory_space<vmem>> -> memref<104x64xf32, #tpu.memory_space<vmem>>
    %dma_wait3A_382 = arith.constant 0 : i32
    %dma_wait3A_383 = tpu.memref_slice %arg5[%multiple_of3A_376, %dma_wait3A_382] : memref<800000x64xf32, #tpu.memory_space<hbm>> -> memref<104x64xf32, #tpu.memory_space<hbm>>
    %dma_wait3A_384 = arith.constant 0 : i32
    %dma_wait3A_385 = tpu.memref_slice %arg5[%multiple_of3A_376, %dma_wait3A_384] : memref<800000x64xf32, #tpu.memory_space<hbm>> -> memref<104x64xf32, #tpu.memory_space<hbm>>
    %dma_wait3A_386 = arith.constant 0 : i32
    %dma_wait3A_387 = arith.constant 0 : i32
    %dma_wait3A_388 = tpu.memref_slice %arg10[%dma_wait3A_377, %dma_wait3A_386, %dma_wait3A_387] : memref<3x104x64xf32, #tpu.memory_space<vmem>> -> memref<1x104x64xf32, #tpu.memory_space<vmem>>
    %dma_wait3A_389 = tpu.memref_squeeze %dma_wait3A_388 : memref<1x104x64xf32, #tpu.memory_space<vmem>> -> memref<104x64xf32, #tpu.memory_space<vmem>>
    tpu.wait_dma2 semaphore(%arg14 : memref<!tpu.dma_semaphore, #tpu.memory_space<semaphore_mem>>) src(%dma_wait3A_389 : memref<104x64xf32, #tpu.memory_space<vmem>>) dst(%dma_wait3A_385 : memref<104x64xf32, #tpu.memory_space<hbm>>)
    return
  }
}

module attributes {stable_mosaic.version = 14 : i64} {
  func.func @_tc_pre_body(%arg0: i32, %arg1: memref<64x3200xf32, #tpu.memory_space<vmem>>, %arg2: memref<64x128xf32, #tpu.memory_space<vmem>>, %arg3: memref<3200x128xf32, #tpu.memory_space<vmem>>) attributes {dimension_semantics = [#tpu.dimension_semantics<arbitrary>], iteration_bounds = array<i64: 250>, scalar_prefetch = 0 : i64, scratch_operands = 0 : i64, tpu.core_type = #tpu.core_type<tc>, window_params = [{transform_indices = @transform_0, window_bounds = array<i64: 64, 3200>}, {pipeline_mode = #tpu.pipeline_mode<synchronous>, transform_indices = @transform_1, window_bounds = array<i64: 64, 128>}, {transform_indices = @transform_2, window_bounds = array<i64: 3200, 128>}]} {
    %get3A = arith.constant 0 : index
    %get3A_0 = arith.constant 0 : index
    %get3A_1 = vector.load %arg1[%get3A, %get3A_0] : memref<64x3200xf32, #tpu.memory_space<vmem>>, vector<64x3200xf32>
    %get3A_2 = arith.constant 0 : index
    %get3A_3 = arith.constant 0 : index
    %get3A_4 = vector.load %arg2[%get3A_2, %get3A_3] : memref<64x128xf32, #tpu.memory_space<vmem>>, vector<64x128xf32>
    %dot_general3A = arith.constant dense<0.000000e+00> : vector<3200x128xf32>
    %dot_general3A_5 = tpu.matmul %get3A_1, %get3A_4, %dot_general3A {dimension_numbers = #tpu.dot_dimension_numbers<[0], [0], [1], [1], [0, 1, 1, 1], [], []>, transpose_lhs_hint = false} : vector<64x3200xf32>, vector<64x128xf32>, vector<3200x128xf32> -> vector<3200x128xf32>
    %swap3A = arith.constant 0 : index
    %swap3A_6 = arith.constant 0 : index
    %swap3A_7 = vector.load %arg3[%swap3A, %swap3A_6] : memref<3200x128xf32, #tpu.memory_space<vmem>>, vector<3200x128xf32>
    tpu.vector_store %arg3[%swap3A, %swap3A_6], %dot_general3A_5 {strides = array<i32>} : memref<3200x128xf32, #tpu.memory_space<vmem>>, vector<3200x128xf32>,
    return
  }
  func.func @transform_0(%arg0: i32) -> (i32, i32) {
    %c0_i32 = arith.constant 0 : i32
    %c0_i32_0 = arith.constant 0 : i32
    return %c0_i32, %arg0 : i32, i32
  }
  func.func @transform_1(%arg0: i32) -> (i32, i32) {
    %c0_i32 = arith.constant 0 : i32
    %c0_i32_0 = arith.constant 0 : i32
    %c0_i32_1 = arith.constant 0 : i32
    return %c0_i32, %c0_i32_0 : i32, i32
  }
  func.func @transform_2(%arg0: i32) -> (i32, i32) {
    %c0_i32 = arith.constant 0 : i32
    %c0_i32_0 = arith.constant 0 : i32
    return %arg0, %c0_i32 : i32, i32
  }
}

module attributes {stable_mosaic.version = 14 : i64} {
  func.func @_tc_tail_body(%arg0: i32, %arg1: memref<3200x64xf32, #tpu.memory_space<vmem>>, %arg2: memref<8x3200xf32, #tpu.memory_space<vmem>>, %arg3: memref<42x3200xf32, #tpu.memory_space<vmem>>, %arg4: memref<42x64xf32, #tpu.memory_space<vmem>>, %arg5: memref<1x64xf32, #tpu.memory_space<vmem>>, %arg6: memref<1x64xf32, #tpu.memory_space<vmem>>, %arg7: memref<64x64xf32, #tpu.memory_space<vmem>>, %arg8: memref<1x64xf32, #tpu.memory_space<vmem>>, %arg9: memref<1x1xf32, #tpu.memory_space<vmem>>, %arg10: memref<1x1xf32, #tpu.memory_space<vmem>>, %arg11: memref<64x3200xf32, #tpu.memory_space<vmem>>) attributes {dimension_semantics = [#tpu.dimension_semantics<arbitrary>], iteration_bounds = array<i64: 250>, scalar_prefetch = 0 : i64, scratch_operands = 0 : i64, tpu.core_type = #tpu.core_type<tc>, window_params = [{transform_indices = @transform_0, window_bounds = array<i64: 3200, 64>}, {transform_indices = @transform_1, window_bounds = array<i64: 8, 3200>}, {transform_indices = @transform_2, window_bounds = array<i64: 42, 3200>}, {pipeline_mode = #tpu.pipeline_mode<synchronous>, transform_indices = @transform_3, window_bounds = array<i64: 42, 64>}, {pipeline_mode = #tpu.pipeline_mode<synchronous>, transform_indices = @transform_4, window_bounds = array<i64: 1, 64>}, {pipeline_mode = #tpu.pipeline_mode<synchronous>, transform_indices = @transform_5, window_bounds = array<i64: 1, 64>}, {pipeline_mode = #tpu.pipeline_mode<synchronous>, transform_indices = @transform_6, window_bounds = array<i64: 64, 64>}, {pipeline_mode = #tpu.pipeline_mode<synchronous>, transform_indices = @transform_7, window_bounds = array<i64: 1, 64>}, {pipeline_mode = #tpu.pipeline_mode<synchronous>, transform_indices = @transform_8, window_bounds = array<i64: 1, 1>}, {pipeline_mode = #tpu.pipeline_mode<synchronous>, transform_indices = @transform_9, window_bounds = array<i64: 1, 1>}, {transform_indices = @transform_10, window_bounds = array<i64: 64, 3200>}]} {
    %get3A = arith.constant 0 : index
    %get3A_0 = arith.constant 0 : index
    %get3A_1 = vector.load %arg1[%get3A, %get3A_0] : memref<3200x64xf32, #tpu.memory_space<vmem>>, vector<3200x64xf32>
    %get3A_2 = arith.constant 0 : index
    %get3A_3 = arith.constant 0 : index
    %get3A_4 = vector.load %arg2[%get3A_2, %get3A_3] : memref<8x3200xf32, #tpu.memory_space<vmem>>, vector<1x3200xf32>
    %get3A_5 = arith.constant 0 : index
    %get3A_6 = arith.constant 0 : index
    %get3A_7 = vector.load %arg9[%get3A_5, %get3A_6] : memref<1x1xf32, #tpu.memory_space<vmem>>, vector<1x1xf32>
    %mul3A = vector.broadcast %get3A_7 : vector<1x1xf32> to vector<1x3200xf32>
    %mul3A_8 = arith.mulf %get3A_4, %mul3A : vector<1x3200xf32>
    %get3A_9 = arith.constant 0 : index
    %get3A_10 = arith.constant 0 : index
    %get3A_11 = vector.load %arg10[%get3A_9, %get3A_10] : memref<1x1xf32, #tpu.memory_space<vmem>>, vector<1x1xf32>
    %add3A = vector.broadcast %get3A_11 : vector<1x1xf32> to vector<1x3200xf32>
    %add3A_12 = arith.addf %mul3A_8, %add3A : vector<1x3200xf32>
    %neg3A = arith.constant 0.000000e+00 : f32
    %neg3A_13 = vector.broadcast %neg3A : f32 to vector<1x3200xf32>
    %neg3A_14 = arith.subf %neg3A_13, %add3A_12 : vector<1x3200xf32>
    %exp3A = math.exp %neg3A_14 : vector<1x3200xf32>
    %add3A_15 = arith.constant 1.000000e+00 : f32
    %add3A_16 = vector.broadcast %add3A_15 : f32 to vector<1x3200xf32>
    %add3A_17 = arith.addf %add3A_16, %exp3A : vector<1x3200xf32>
    %div3A = arith.constant 1.000000e+00 : f32
    %div3A_18 = vector.broadcast %div3A : f32 to vector<1x3200xf32>
    %div3A_19 = arith.divf %div3A_18, %add3A_17 : vector<1x3200xf32>
    %mul3A_20 = arith.mulf %add3A_12, %div3A_19 : vector<1x3200xf32>
    %get3A_21 = arith.constant 0 : index
    %get3A_22 = arith.constant 0 : index
    %get3A_23 = vector.load %arg6[%get3A_21, %get3A_22] : memref<1x64xf32, #tpu.memory_space<vmem>>, vector<1x64xf32>
    %dot_general3A = arith.constant dense<0.000000e+00> : vector<3200x64xf32>
    %dot_general3A_24 = tpu.matmul %mul3A_20, %get3A_23, %dot_general3A {dimension_numbers = #tpu.dot_dimension_numbers<[0], [0], [1], [1], [0, 1, 1, 1], [], []>, transpose_lhs_hint = false} : vector<1x3200xf32>, vector<1x64xf32>, vector<3200x64xf32> -> vector<3200x64xf32>
    %add3A_25 = arith.addf %get3A_1, %dot_general3A_24 : vector<3200x64xf32>
    %get3A_26 = arith.constant 0 : index
    %get3A_27 = arith.constant 0 : index
    %get3A_28 = vector.load %arg3[%get3A_26, %get3A_27] : memref<42x3200xf32, #tpu.memory_space<vmem>>, vector<42x3200xf32>
    %get3A_29 = arith.constant 0 : index
    %get3A_30 = arith.constant 0 : index
    %get3A_31 = vector.load %arg4[%get3A_29, %get3A_30] : memref<42x64xf32, #tpu.memory_space<vmem>>, vector<42x64xf32>
    %dot_general3A_32 = arith.constant dense<0.000000e+00> : vector<3200x64xf32>
    %dot_general3A_33 = tpu.matmul %get3A_28, %get3A_31, %dot_general3A_32 {dimension_numbers = #tpu.dot_dimension_numbers<[0], [0], [1], [1], [0, 1, 1, 1], [], []>, transpose_lhs_hint = false} : vector<42x3200xf32>, vector<42x64xf32>, vector<3200x64xf32> -> vector<3200x64xf32>
    %get3A_34 = arith.constant 0 : index
    %get3A_35 = arith.constant 0 : index
    %get3A_36 = vector.load %arg5[%get3A_34, %get3A_35] : memref<1x64xf32, #tpu.memory_space<vmem>>, vector<1x64xf32>
    %add3A_37 = vector.broadcast %get3A_36 : vector<1x64xf32> to vector<3200x64xf32>
    %add3A_38 = arith.addf %dot_general3A_33, %add3A_37 : vector<3200x64xf32>
    %neg3A_39 = arith.constant 0.000000e+00 : f32
    %neg3A_40 = vector.broadcast %neg3A_39 : f32 to vector<3200x64xf32>
    %neg3A_41 = arith.subf %neg3A_40, %add3A_38 : vector<3200x64xf32>
    %exp3A_42 = math.exp %neg3A_41 : vector<3200x64xf32>
    %add3A_43 = arith.constant 1.000000e+00 : f32
    %add3A_44 = vector.broadcast %add3A_43 : f32 to vector<3200x64xf32>
    %add3A_45 = arith.addf %add3A_44, %exp3A_42 : vector<3200x64xf32>
    %div3A_46 = arith.constant 1.000000e+00 : f32
    %div3A_47 = vector.broadcast %div3A_46 : f32 to vector<3200x64xf32>
    %div3A_48 = arith.divf %div3A_47, %add3A_45 : vector<3200x64xf32>
    %mul3A_49 = arith.mulf %add3A_38, %div3A_48 : vector<3200x64xf32>
    %get3A_50 = arith.constant 0 : index
    %get3A_51 = arith.constant 0 : index
    %get3A_52 = vector.load %arg7[%get3A_50, %get3A_51] : memref<64x64xf32, #tpu.memory_space<vmem>>, vector<64x64xf32>
    %dot_general3A_53 = arith.constant dense<0.000000e+00> : vector<3200x64xf32>
    %dot_general3A_54 = tpu.matmul %mul3A_49, %get3A_52, %dot_general3A_53 {dimension_numbers = #tpu.dot_dimension_numbers<[1], [0], [0], [1], [0, 0, 1, 1], [], []>, transpose_lhs_hint = false} : vector<3200x64xf32>, vector<64x64xf32>, vector<3200x64xf32> -> vector<3200x64xf32>
    %add3A_55 = arith.addf %add3A_25, %dot_general3A_54 : vector<3200x64xf32>
    %get3A_56 = arith.constant 0 : index
    %get3A_57 = arith.constant 0 : index
    %get3A_58 = vector.load %arg8[%get3A_56, %get3A_57] : memref<1x64xf32, #tpu.memory_space<vmem>>, vector<1x64xf32>
    %add3A_59 = vector.broadcast %get3A_58 : vector<1x64xf32> to vector<3200x64xf32>
    %add3A_60 = arith.addf %add3A_55, %add3A_59 : vector<3200x64xf32>
    %neg3A_61 = arith.constant 0.000000e+00 : f32
    %neg3A_62 = vector.broadcast %neg3A_61 : f32 to vector<3200x64xf32>
    %neg3A_63 = arith.subf %neg3A_62, %add3A_60 : vector<3200x64xf32>
    %exp3A_64 = math.exp %neg3A_63 : vector<3200x64xf32>
    %add3A_65 = arith.constant 1.000000e+00 : f32
    %add3A_66 = vector.broadcast %add3A_65 : f32 to vector<3200x64xf32>
    %add3A_67 = arith.addf %add3A_66, %exp3A_64 : vector<3200x64xf32>
    %div3A_68 = arith.constant 1.000000e+00 : f32
    %div3A_69 = vector.broadcast %div3A_68 : f32 to vector<3200x64xf32>
    %div3A_70 = arith.divf %div3A_69, %add3A_67 : vector<3200x64xf32>
    %mul3A_71 = arith.mulf %add3A_60, %div3A_70 : vector<3200x64xf32>
    %transpose3A = tpu.transpose %mul3A_71, [1, 0] : vector<3200x64xf32> -> vector<64x3200xf32>
    %swap3A = arith.constant 0 : index
    %swap3A_72 = arith.constant 0 : index
    %swap3A_73 = vector.load %arg11[%swap3A, %swap3A_72] : memref<64x3200xf32, #tpu.memory_space<vmem>>, vector<64x3200xf32>
    tpu.vector_store %arg11[%swap3A, %swap3A_72], %transpose3A {strides = array<i32>} : memref<64x3200xf32, #tpu.memory_space<vmem>>, vector<64x3200xf32>,
    return
  }
  func.func @transform_0(%arg0: i32) -> (i32, i32) {
    %c0_i32 = arith.constant 0 : i32
    %c0_i32_0 = arith.constant 0 : i32
    return %arg0, %c0_i32 : i32, i32
  }
  func.func @transform_1(%arg0: i32) -> (i32, i32) {
    %c0_i32 = arith.constant 0 : i32
    %c0_i32_0 = arith.constant 0 : i32
    return %c0_i32, %arg0 : i32, i32
  }
  func.func @transform_2(%arg0: i32) -> (i32, i32) {
    %c0_i32 = arith.constant 0 : i32
    %c0_i32_0 = arith.constant 0 : i32
    return %c0_i32, %arg0 : i32, i32
  }
  func.func @transform_3(%arg0: i32) -> (i32, i32) {
    %c0_i32 = arith.constant 0 : i32
    %c0_i32_0 = arith.constant 0 : i32
    %c0_i32_1 = arith.constant 0 : i32
    return %c0_i32, %c0_i32_0 : i32, i32
  }
  func.func @transform_4(%arg0: i32) -> (i32, i32) {
    %c0_i32 = arith.constant 0 : i32
    %c0_i32_0 = arith.constant 0 : i32
    %c0_i32_1 = arith.constant 0 : i32
    return %c0_i32, %c0_i32_0 : i32, i32
  }
  func.func @transform_5(%arg0: i32) -> (i32, i32) {
    %c0_i32 = arith.constant 0 : i32
    %c0_i32_0 = arith.constant 0 : i32
    %c0_i32_1 = arith.constant 0 : i32
    return %c0_i32, %c0_i32_0 : i32, i32
  }
  func.func @transform_6(%arg0: i32) -> (i32, i32) {
    %c0_i32 = arith.constant 0 : i32
    %c0_i32_0 = arith.constant 0 : i32
    %c0_i32_1 = arith.constant 0 : i32
    return %c0_i32, %c0_i32_0 : i32, i32
  }
  func.func @transform_7(%arg0: i32) -> (i32, i32) {
    %c0_i32 = arith.constant 0 : i32
    %c0_i32_0 = arith.constant 0 : i32
    %c0_i32_1 = arith.constant 0 : i32
    return %c0_i32, %c0_i32_0 : i32, i32
  }
  func.func @transform_8(%arg0: i32) -> (i32, i32) {
    %c0_i32 = arith.constant 0 : i32
    %c0_i32_0 = arith.constant 0 : i32
    %c0_i32_1 = arith.constant 0 : i32
    return %c0_i32, %c0_i32_0 : i32, i32
  }
  func.func @transform_9(%arg0: i32) -> (i32, i32) {
    %c0_i32 = arith.constant 0 : i32
    %c0_i32_0 = arith.constant 0 : i32
    %c0_i32_1 = arith.constant 0 : i32
    return %c0_i32, %c0_i32_0 : i32, i32
  }
  func.func @transform_10(%arg0: i32) -> (i32, i32) {
    %c0_i32 = arith.constant 0 : i32
    %c0_i32_0 = arith.constant 0 : i32
    return %c0_i32, %arg0 : i32, i32
  }
}

</mosaic_0001>

<sc_bundles>
// kernel: kernel.5.cloned.1.call-start
scs
__scs_entry_jumppad:
0x0: {  	(pc) =	sbr.rel $0x88, $3  }
0x1: {  	(tag) =	ssettag $0x0;
	lr =	simm.s32 $0x1  }
0x2: {  	[smem:$0x3F96] =	sst lr;
	_ =	strace $0xD0000000  }
0x3: {  	_ = 	snop  }
0x4: {  	_ = 	snop  }
0x5: {  	_ = 	snop  }
0x6: {  	_ = 	snop  }
0x7: {  	_ = 	snop  }
__scs_overlays_trampoline_lowered:
0x8: {  	[smem:$0x3FA5] =	sst s0  }
0x9: {  	[smem:$0x3FA6] =	sst s1  }
0xa: {  	[smem:$0x3FA7] =	sst s2  }
0xb: {  	[smem:$0x3FA8] =	sst s3  }
0xc: {  	[smem:$0x3FA9] =	sst s4  }
0xd: {  	[smem:$0x3FAA] =	sst s5  }
0xe: {  	[smem:$0x3FAB] =	sst s6  }
0xf: {  	[smem:$0x3FAC] =	sst s7  }
0x10: {  	[smem:$0x3FAD] =	sst s8  }
0x11: {  	[smem:$0x3FAE] =	sst s9;
	s0 =	simm.s32 @!p0 $0x0  }
0x12: {  	s1 =	sld [smem:$0x3F94];
	s0 =	simm.s32 @p0 $0x1  }
0x13: {  	[smem:$0x3FAF] =	sst s0;
	s0 =	simm.s32 @!p1 $0x0  }
0x14: {  	s2 =	sld [smem:$0x3F93];
	s0 =	simm.s32 @p1 $0x1  }
0x15: {  	[smem:$0x3FB0] =	sst s0;
	s0 =	simm.s32 @!p2 $0x0  }
0x16: {  	s3 =	sld [smem:$0x3FDB];
	s0 =	simm.s32 @p2 $0x1  }
0x17: {  	s4 =	simm.s32 $0x1BF5;
	[smem:$0x3FB2] =	sst s0  }
0x18: {  	s0 =	sld [smem:$0x3F95];
	_ =	swait.ge [sflag:s4], $0x0  }
0x19: {  	s7 =	sld [smem:$0x3F96]  }
0x1a: {  	s8 =	sadd.s32 $0xFFFFE003, lr  }
0x1b: {  	s9 =	sadd.s32 $0xFFFFFEF7, lr;
	s5 =	simm.s32 $0xFFFFFFFF;
	p2 =	slt.u32 s8, $0xFFFFF086  }
0x1c: {  	p1 =	slt.u32 s9, $0xF7A;
	s5 =	simm.s32 @!p2 $0x0  }
0x1d: {  	s5 =	simm.s32 @p1 $0x1;
	p0 =	seq.s32 s7, s2  }
0x1e: {  	s7 =	smul.u32 @!p0 $0xF7A, s2;
	p2 =	seq.s32 @!p0 s5, $0x0  }
0x1f: {  	s9 =	smul.u32 $0xF7A, s1;
	s8 =	simm.s32 @!p0 $0x1BF5;
	p2 =	por !p2, p0  }
0x20: {  	[sflag:s8] =	ssyncset.s32 @!p0 $0xFFFFF086;
	s6 =	sadd.s32 @!p0 s3, s7;
	s7 =	simm.s32 @!p0 $0x108  }
0x21: {  	s3 =	sadd.s32 s3, s9;
	s6 =	sadd.s32 @!p0 $0x88, s6;
	s7 =	simm.s32 @p2 $0x1082  }
0x22: {  	[simem:s7], [sflag:s8] =	dma.local @!p0 [hbm:s6], $0xF7A  }
0x23: {  	s9 =	sor.u32 $0xD0000000, s2;
	s6 =	simm.s32 $0x108;
	_ =	swait.ge @!p0 [sflag:s8], $0x0  }
0x24: {  	s3 =	sadd.s32 $0x88, s3;
	s6 =	simm.s32 @!p1 $0x1082;
	[sflag:s4] =	ssyncset.s32 $0xFFFFF086  }
0x25: {  	[simem:s6], [sflag:s4] =	dma.local [hbm:s3], $0xF7A  }
0x26: {  	[smem:$0x3F96] =	sst s1;
	(tag) =	ssettag s2;
	_ =	strace s9  }
0x27: {  	s1 =	sld [smem:$0x3FA6]  }
0x28: {  	s2 =	sld [smem:$0x3FA7]  }
0x29: {  	s4 =	sld [smem:$0x3FA9]  }
0x2a: {  	p0 =	seq.s32 s5, $0x0;
	s5 =	sld [smem:$0x3FAA]  }
0x2b: {  	s6 =	sld [smem:$0x3FAB]  }
0x2c: {  	s7 =	sld [smem:$0x3FAC]  }
0x2d: {  	s3 =	simm.s32 $0x108;
	s8 =	sld [smem:$0x3FAD]  }
0x2e: {  	s3 =	simm.s32 @!p0 $0x1082;
	s9 =	sld [smem:$0x3FAE]  }
0x2f: {  	lr =	sadd.s32 s0, s3;
	s0 =	sld [smem:$0x3FA5]  }
0x30: {  	s3 =	sld [smem:$0x3FA8]  }
0x31: {  	[smem:$0x3FB1] =	sst s10  }
0x32: {  	s10 =	sld [smem:$0x3FAF];
	_ =	sdelay $0x3  }
0x33: {  	p0 =	seq.s32 s10, $0x1;
	s10 =	sld [smem:$0x3FB1];
	_ =	sdelay $0x3  }
0x34: {  	[smem:$0x3FB1] =	sst s10  }
0x35: {  	s10 =	sld [smem:$0x3FB0];
	_ =	sdelay $0x3  }
0x36: {  	p1 =	seq.s32 s10, $0x1;
	s10 =	sld [smem:$0x3FB1];
	_ =	sdelay $0x3  }
0x37: {  	[smem:$0x3FB1] =	sst s10  }
0x38: {  	s10 =	sld [smem:$0x3FB2]  }
0x39: {  	_ = 	snop;
	(pc) =	sbr.ind lr, $3  }
0x3a: {  	_ = 	snop  }
0x3b: {  	_ = 	snop  }
0x3c: {  	p2 =	seq.s32 s10, $0x1;
	s10 =	sld [smem:$0x3FB1]  }
0x3d: {  	_ =	shalt  }
0x3e: {  	_ =	shalt  }
0x3f: {  	_ =	shalt  }
0x40: {  	_ =	shalt  }
0x41: {  	_ =	shalt  }
0x42: {  	_ =	shalt  }
0x43: {  	_ =	shalt  }
0x44: {  	_ =	shalt  }
0x45: {  	_ =	shalt  }
0x46: {  	_ =	shalt  }
0x47: {  	_ =	shalt  }
0x48: {  	_ =	shalt  }
0x49: {  	_ =	shalt  }
0x4a: {  	_ =	shalt  }
0x4b: {  	_ =	shalt  }
0x4c: {  	_ =	shalt  }
0x4d: {  	_ =	shalt  }
0x4e: {  	_ =	shalt  }
0x4f: {  	_ =	shalt  }
0x50: {  	_ =	shalt  }
0x51: {  	_ =	shalt  }
0x52: {  	_ =	shalt  }
0x53: {  	_ =	shalt  }
0x54: {  	_ =	shalt  }
0x55: {  	_ =	shalt  }
0x56: {  	_ =	shalt  }
0x57: {  	_ =	shalt  }
0x58: {  	_ =	shalt  }
0x59: {  	_ =	shalt  }
0x5a: {  	_ =	shalt  }
0x5b: {  	_ =	shalt  }
0x5c: {  	_ =	shalt  }
0x5d: {  	_ =	shalt  }
0x5e: {  	_ =	shalt  }
0x5f: {  	_ =	shalt  }
0x60: {  	_ =	shalt  }
0x61: {  	_ =	shalt  }
0x62: {  	_ =	shalt  }
0x63: {  	_ =	shalt  }
0x64: {  	_ =	shalt  }
0x65: {  	_ =	shalt  }
0x66: {  	_ =	shalt  }
0x67: {  	_ =	shalt  }
0x68: {  	_ =	shalt  }
0x69: {  	_ =	shalt  }
0x6a: {  	_ =	shalt  }
0x6b: {  	_ =	shalt  }
0x6c: {  	_ =	shalt  }
0x6d: {  	_ =	shalt  }
0x6e: {  	_ =	shalt  }
0x6f: {  	_ =	shalt  }
0x70: {  	_ =	shalt  }
0x71: {  	_ =	shalt  }
0x72: {  	_ =	shalt  }
0x73: {  	_ =	shalt  }
0x74: {  	_ =	shalt  }
0x75: {  	_ =	shalt  }
0x76: {  	_ =	shalt  }
0x77: {  	_ =	shalt  }
0x78: {  	_ =	shalt  }
0x79: {  	_ =	shalt  }
0x7a: {  	_ =	shalt  }
0x7b: {  	_ =	shalt  }
0x7c: {  	_ =	shalt  }
0x7d: {  	_ =	shalt  }
0x7e: {  	_ =	shalt  }
0x7f: {  	_ =	shalt  }
0x80: {  	_ =	shalt  }
0x81: {  	_ =	shalt  }
0x82: {  	_ =	shalt  }
0x83: {  	_ =	shalt  }
0x84: {  	_ =	shalt  }
0x85: {  	_ =	shalt  }
0x86: {  	_ =	shalt  }
0x87: {  	_ =	shalt  }
.Lfunc_end0:
.L_simem_size_0:
called_computation_lowered:
.L_overlay_start_0:
0x88: {  	s2 =	sld [smem:$0x3FD9]  }
0x89: {  	s3 =	sld [smem:$0x3FFE];
	_ =	sdelay $0x1  }
0x8a: {  	s1 =	srdreg.scid  }
0x8b: {  	s0 =	sand.u32 $0x1, s1  }
0x8c: {  	s17 =	sshll.u32 s0, $0xA;
	s2 =	sadd.s32 s3, s2  }
0x8d: {  	s2 =	sadd.s32 s2, s17  }
0x8e: {  	[smem:$0x3FBD] =	sst s2  }
0x8f: {  	_ = 	snop  }
0x90: {  	s2 =	sld [smem:$0x3FC6]  }
0x91: {  	s18 =	sld [smem:$0x3FC5];
	(tm) =	ssettm $0x1  }
0x92: {  	s4 =	sld [smem:$0x3FFB];
	_ =	sdelay $0x3  }
0x93: {  	_ =	strace s4  }
0x94: {  	s4 =	sld [smem:$0x3FFC];
	_ =	sdelay $0x3  }
0x95: {  	_ =	strace s4  }
0x96: {  	s4 =	sld [smem:$0x3FFD];
	_ =	sdelay $0x3  }
0x97: {  	_ =	strace s4  }
0x98: {  	_ =	strace $0x8FFFFFFF  }
0x99: {  	s19 =	sld [smem:$0x3FDB];
	_ =	sdelay $0x1  }
0x9a: {  	s5 =	simm.s32 $_scs_section_size  }
0x9b: {  	s6 =	simm.s32 $_size__tile_overlayer_lowered;
	s7 =	simm.s32 $_tile_overlayer_lowered  }
0x9c: {  	s22 =	simm.s32 $0x1BFF;
	s21 =	sshll.u32 s7, $0x1;
	s4 =	sadd.s32 s5, s19  }
0x9d: {  	s8 =	simm.s32 $0x0;
	s20 =	sshll.u32 s6, $0x1;
	s6 =	sadd.s32 s21, s4  }
0x9e: {  	[timem:s8], [sflag:s22] =	dma.local [hbm:s6], s20  }
0x9f: {  	_ =	swait.ge [sflag:s22], s20  }
0xa0: {  	s5 =	ssub.s32 $0x0, s20;
	[sflag:s22] =	ssyncset.done $0x0  }
0xa1: {  	[sflag:s22] =	ssyncadd.s32 s5;
	_ =	sdelay $0x1  }
0xa2: {  	s23 =	simm.s32 $0x1B8B  }
0xa3: {  	_ =	swait.ge [sflag:s23], $0x1  }
0xa4: {  	[sflag:s23] =	ssyncset.done $0x0  }
0xa5: {  	s25 =	simm.s32 $0x1B8E;
	s24 =	sld [smem:$0x3FFE];
	[sflag:s23] =	ssyncadd.s32 $0xFFFFFFFF  }
0xa6: {  	s26 =	simm.s32 $execute0_lowered;
	[smem:$0x3FD2] =	sst s25  }
0xa7: {  	s6 =	sshll.u32 s26, $0x1;
	_ =	strace $0x80000046;
	[dreg:$0x1] =	wrdreg $0xFFFFFFFF  }
0xa8: {  	s28 =	simm.s32 $_size_execute0_lowered;
	s4 =	sadd.s32 s4, s6;
	[dreg:$0x0] =	wrdreg $0x0  }
0xa9: {  	s6 =	sshll.u32 s28, $0x1;
	[dreg:$0x2] =	wrdreg s4  }
0xaa: {  	[dreg:$0x3] =	wrdreg s6  }
0xab: {  	[dreg:$0x4] =	wrdreg $0xC0  }
0xac: {  	_ =	task [dreg:s8], $0x5FFFF  }
0xad: {  	[dreg:$0x1] =	wrdreg $0xFFFFFFFF  }
0xae: {  	[dreg:$0x0] =	wrdreg $0x60  }
0xaf: {  	[dreg:$0x2] =	wrdreg s24  }
0xb0: {  	[dreg:$0x3] =	wrdreg s2  }
0xb1: {  	[dreg:$0x4] =	wrdreg s18  }
0xb2: {  	[dreg:$0x5] =	wrdreg $0x9  }
0xb3: {  	_ =	task.clear_ibuf [dreg:s8], $0x6FFFF;
	_ =	strace $0x90000046  }
0xb4: {  	s29 =	simm.s32 $0x9;
	_ =	strace $0x80000048  }
0xb5: {  	_ =	swait.ge [sflag:s29], $0x1  }
0xb6: {  	[sflag:s29] =	ssyncadd.s32 $0xFFFFFFFF  }
0xb7: {  	_ =	strace $0x90000048  }
0xb8: {  	_ =	sfence  }
0xb9: {  	s30 =	sld [smem:$0x0];
	_ =	sdelay $0x2  }
0xba: {  	s31 =	sshll.u32 s1, $0xD;
	s1 =	sshrl.u32 s1, $0x2  }
0xbb: {  	s3 =	sand.u32 $0x4000, s31;
	s1 =	sadd.s32 s1, s30  }
0xbc: {  	s0 =	sor.u32 s3, s0;
	s1 =	sshll.u32 s1, $0x11  }
0xbd: {  	s0 =	sor.u32 s1, s0  }
0xbe: {  	s0 =	sadd.s32 $0x8F2B, s0  }
0xbf: {  	[sflag:s0] =	ssyncadd.remote.s32 $0x1  }
0xc0: {  	_ =	sfence.sel $0xFFFF  }
0xc1: {  	[dreg:$0x0] =	wrdreg $0xFFFFFFFF;
	(pc) =	sbr.abs _section_cstart, $3  }
0xc2: {  	[dreg:$0x1] =	wrdreg $0xFFFFFFFF  }
0xc3: {  	_ =	task.clear_ibuf [dreg:s8], $0x2FFFF;
	_ =	strace $0x9FFFFFFF  }
0xc4: {  	(tm) =	ssettm $0x7FFFFFFF  }
0xc5: {  	_ =	shalt  }
tec
execute0_lowered:
.L_overlay_start_1:
0x0: {  	(tag) =	ssettag $0x1  }
0x1: {  	s0 =	rddreg [dreg:$0x0]  }
0x2: {  	s2 =	rddreg [dreg:$0x1]  }
0x3: {  	s3 =	rddreg [dreg:$0x2]  }
0x4: {  	s1 =	srdreg.scid;
	s5 =	stileid.u32;
	s4 =	simm.s32 $0x0  }
0x5: {  	s31 =	simm.s32 $0x1;
	s30 =	simm.s32 $0x7000;
	s28 =	simm.s32 $0x3  }
0x6: {  	s29 =	simm.s32 $0x14000;
	s1 =	sand.u32 $0x1, s1;
	s5 =	sshll.u32 s5, $0x1  }
0x7: {  	s13 =	simm.s32 $0x0;
	[smem:$0x7FF] =	sst s4;
	s5 =	sor.u32 s1, s5  }
0x8: {  	s6 =	sadd.s32 $0xE00, s0;
	s19 =	ssub.s32 $0x2, s1;
	s5 =	smul.u32 $0x61A8, s5  }
0x9: {  	s7 =	sadd.s32 $0xC35E00, s0;
	_ =	strace $0x80000047;
	s1 =	sshrl.u32 s19, $0x1  }
0xa: {  	s0 =	ssub.s32 s19, s1;
	s9 =	sshrl.u32 s5, $0x3;
	s8 =	sadd.s32 $0x68, s5  }
0xb: {  	s12 =	sadd.s32 $0xD0, s5;
	s24 =	sadd.s32 $0x138, s5;
	s20 =	sadd.s32 s2, s9  }
0xc: {  	s21 =	sshrl.u32 s8, $0x3;
	s10 =	sadd.s32 s3, s9;
	s23 =	sshrl.u32 s12, $0x3  }
0xd: {  	s25 =	sshrl.u32 s24, $0x3;
	s26 =	sadd.s32 $0x34, s9;
	[dreg:$0x4] =	wrdreg s20  }
0xe: {  	s9 =	simm.s32 $0x17400;
	[dreg:$0x5] =	wrdreg s10;
	s22 =	sadd.s32 s2, s21  }
0xf: {  	s1 =	sadd.s32 s3, s21;
	s11 =	sadd.s32 s2, s23;
	s10 =	sadd.s32 s2, s25  }
0x10: {  	s18 =	sadd.s32 s2, s26;
	s19 =	sadd.s32 s3, s26;
	[dreg:$0x6] =	wrdreg s22  }
.Ltmp0:
0x11: {  	s20 =	smax.u32 s0, $0x1;
	[dreg:$0x7] =	wrdreg s1;
	(pc) =	sbr.rel .LBB2_1-.Ltmp0, $4  }
0x12: {  	s0 =	simm.s32 $0x68;
	s26 =	simm.s32 $0x2;
	[dreg:$0x8] =	wrdreg s11  }
0x13: {  	s1 =	sadd.s32 s3, s23;
	[dreg:$0xa] =	wrdreg s10;
	s10 =	simm.s32 $0x1A800  }
0x14: {  	s11 =	simm.s32 $0x4;
	[dreg:$0x9] =	wrdreg s1;
	s1 =	sadd.s32 s3, s25  }
0x15: {  	s25 =	simm.s32 $0x500;
	[dreg:$0xb] =	wrdreg s1;
	s1 =	simm.s32 $0x10C00  }
.LBB2_13:
0x16: {  	_ =	swait.ge [sflag:s11], $0x3400  }
0x17: {  	[sflag:s11] =	ssyncset.done $0x0  }
0x18: {  	s13 =	sadd.s32 $0x1, s13;
	[sflag:s11] =	ssyncadd.s32 $0xFFFFCC00  }
0x19: {  	p0 =	sne.s32 s13, s20;
	_ =	swait.ge [sflag:s11], $0x3400  }
.Ltmp1:
0x1a: {  	[sflag:s11] =	ssyncset.done $0x0;
	(pc) =	sbr.rel @!p0 .LBB2_14-.Ltmp1, $4  }
0x1b: {  	[sflag:s11] =	ssyncadd.s32 $0xFFFFCC00  }
0x1c: {  	_ =	swait.ge [sflag:s11], $0x3400  }
0x1d: {  	[sflag:s11] =	ssyncset.done $0x0  }
0x1e: {  	[sflag:s11] =	ssyncadd.s32 $0xFFFFCC00  }
.LBB2_1:
0x1f: {  	s14 =	rddreg [dreg:$0x4]  }
0x20: {  	[tilespmem:s4], [sflag:$0x1] =	stream.linear.gather [hbm4b:s14+s4], $0x68, $0x38;
	[tilespmem:$0x1DC00] =	vst v63  }
0x21: {  	s16 =	rddreg [dreg:$0x5];
	s15 =	simm.s32 $0x400  }
0x22: {  	[tilespmem:s15], [sflag:$0x1] =	stream.linear.gather [hbm4b:s16+s4], $0x68, $0x38;
	[tilespmem:$0x1DC00] =	vst v63  }
0x23: {  	s17 =	rddreg [dreg:$0x6];
	s16 =	simm.s32 $0x80  }
0x24: {  	[tilespmem:s16], [sflag:$0x1] =	stream.linear.gather [hbm4b:s17+s4], $0x68, $0x38;
	[tilespmem:$0x1DC00] =	vst v63  }
0x25: {  	s21 =	rddreg [dreg:$0x7];
	s17 =	simm.s32 $0x480  }
0x26: {  	[tilespmem:s17], [sflag:$0x1] =	stream.linear.gather [hbm4b:s21+s4], $0x68, $0x38;
	[tilespmem:$0x1DC00] =	vst v63  }
0x27: {  	s22 =	rddreg [dreg:$0x8];
	s21 =	simm.s32 $0x100  }
0x28: {  	[tilespmem:s21], [sflag:$0x1] =	stream.linear.gather [hbm4b:s22+s4], $0x68, $0x38;
	[tilespmem:$0x1DC00] =	vst v63  }
0x29: {  	s23 =	rddreg [dreg:$0x9]  }
0x2a: {  	[tilespmem:s25], [sflag:$0x1] =	stream.linear.gather [hbm4b:s23+s4], $0x68, $0x38;
	[tilespmem:$0x1DC00] =	vst v63  }
0x2b: {  	s24 =	rddreg [dreg:$0xa];
	s22 =	simm.s32 $0x180  }
0x2c: {  	[tilespmem:s22], [sflag:$0x1] =	stream.linear.gather [hbm4b:s24+s4], $0x68, $0x38;
	[tilespmem:$0x1DC00] =	vst v63  }
0x2d: {  	s23 =	rddreg [dreg:$0xb];
	s24 =	simm.s32 $0x580  }
0x2e: {  	[tilespmem:s24], [sflag:$0x1] =	stream.linear.gather [hbm4b:s23+s4], $0x68, $0x38;
	[tilespmem:$0x1DC00] =	vst v63  }
0x2f: {  	s22 =	simm.s32 $0x200  }
0x30: {  	[tilespmem:s22], [sflag:$0x1] =	stream.linear.gather [hbm4b:s18+s4], $0x68, $0x38;
	[tilespmem:$0x1DC00] =	vst v63  }
0x31: {  	s23 =	simm.s32 $0x600  }
0x32: {  	[tilespmem:s23], [sflag:$0x1] =	stream.linear.gather [hbm4b:s19+s4], $0x68, $0x38;
	[tilespmem:$0x1DC00] =	vst v63  }
0x33: {  	_ =	swait.ge [sflag:s31], $0x68  }
0x34: {  	[sflag:s31] =	ssyncset.done $0x0  }
0x35: {  	[sflag:s31] =	ssyncadd.s32 $0xFFFFFF98  }
0x36: {  	_ =	swait.ge [sflag:s31], $0x68  }
0x37: {  	[sflag:s31] =	ssyncset.done $0x0  }
0x38: {  	s24 =	simm.s32 $0x800;
	[sflag:s31] =	ssyncadd.s32 $0xFFFFFF98  }
0x39: {  	[tilespmem:s24], [sflag:$0x2] =	stream.indirect.gather [hbm4b:s6+s0], $0x80, s4, s0, $0xb8;
	[tilespmem:$0x1DC00] =	vst v63  }
0x3a: {  	s22 =	simm.s32 $0xA400  }
0x3b: {  	[tilespmem:s22], [sflag:$0x3] =	stream.indirect.gather [hbm4b:s6+s0], $0x80, s15, s0, $0xb8;
	[tilespmem:$0x1DC00] =	vst v63  }
0x3c: {  	_ =	swait.ge [sflag:s31], $0x68  }
0x3d: {  	[sflag:s31] =	ssyncset.done $0x0  }
0x3e: {  	[sflag:s31] =	ssyncadd.s32 $0xFFFFFF98  }
0x3f: {  	_ =	swait.ge [sflag:s31], $0x68  }
0x40: {  	[sflag:s31] =	ssyncset.done $0x0  }
0x41: {  	s23 =	simm.s32 $0x3C00;
	[sflag:s31] =	ssyncadd.s32 $0xFFFFFF98  }
0x42: {  	[tilespmem:s23], [sflag:$0x2] =	stream.indirect.gather [hbm4b:s6+s0], $0x80, s16, s0, $0xb8;
	[tilespmem:$0x1DC00] =	vst v63  }
0x43: {  	s24 =	simm.s32 $0xD800  }
0x44: {  	[tilespmem:s24], [sflag:$0x3] =	stream.indirect.gather [hbm4b:s6+s0], $0x80, s17, s0, $0xb8;
	[tilespmem:$0x1DC00] =	vst v63  }
0x45: {  	_ =	swait.ge [sflag:s31], $0x68  }
0x46: {  	[sflag:s31] =	ssyncset.done $0x0  }
0x47: {  	[sflag:s31] =	ssyncadd.s32 $0xFFFFFF98  }
0x48: {  	_ =	swait.ge [sflag:s31], $0x68  }
0x49: {  	[sflag:s31] =	ssyncset.done $0x0  }
0x4a: {  	[sflag:s31] =	ssyncadd.s32 $0xFFFFFF98  }
0x4b: {  	[tilespmem:s30], [sflag:$0x2] =	stream.indirect.gather [hbm4b:s6+s0], $0x80, s21, s0, $0xb8;
	[tilespmem:$0x1DC00] =	vst v63  }
0x4c: {  	s14 =	simm.s32 $0x0  }
0x4d: {  	[tilespmem:s1], [sflag:$0x3] =	stream.indirect.gather [hbm4b:s6+s0], $0x80, s25, s0, $0xb8;
	[tilespmem:$0x1DC00] =	vst v63  }
.LBB2_2:
0x4e: {  	s21 =	smul.u32 $0x3, s14;
	_ =	sdelay $0x1  }
0x4f: {  	p0 =	seq.s32 s14, $0x50;
	s15 =	sadd.s32 $0x5, s21  }
0x50: {  	s16 =	sand.u32 @!p0 $0xFF, s15  }
0x51: {  	_ =	swait.ge [sflag:s26], $0x3400;
	s16 =	smul.u32 @!p0 $0xAB, s16  }
0x52: {  	[sflag:s26] =	ssyncset.done $0x0  }
0x53: {  	s23 =	simm.s32 @!p0 $0x0;
	s17 =	smul.u32 @!p0 $0x68, s15;
	s16 =	sshrl.u32 @!p0 s16, $0xA  }
0x54: {  	p1 =	seq.s32 @!p0 s14, $0x0;
	[sflag:s26] =	ssyncadd.s32 $0xFFFFCC00;
	s16 =	smul.u32 @!p0 $0x6, s16  }
0x55: {  	p1 =	por p0, !p1;
	_ =	swait.ge [sflag:s28], $0x3400;
	s17 =	smin.u32 @!p0 s17, $0x6140  }
0x56: {  	[sflag:s28] =	ssyncset.done $0x0;
	s17 =	sadd.s32 @!p0 s5, s17;
	s16 =	ssub.s32 @!p0 s15, s16  }
.Ltmp2:
0x57: {  	s17 =	sshrl.u32 @!p0 s17, $0x3;
	s16 =	sand.u32 @!p0 $0xFF, s16;
	(pc) =	sbr.rel @!p1 .LBB2_3-.Ltmp2, $4  }
0x58: {  	[sflag:s28] =	ssyncadd.s32 $0xFFFFCC00;
	s22 =	sadd.s32 @!p0 s2, s17;
	s16 =	sshll.u32 @!p0 s16, $0x7  }
0x59: {  	[tilespmem:s16], [sflag:$0x1] =	stream.linear.gather @!p0 [hbm4b:s22+s23], $0x68, $0x38;
	[tilespmem:$0x1DC00] =	vst v63  }
0x5a: {  	s17 =	sadd.s32 @!p0 s3, s17;
	s16 =	sor.u32 @!p0 $0x400, s16  }
0x5b: {  	[tilespmem:s16], [sflag:$0x1] =	stream.linear.gather @!p0 [hbm4b:s17+s23], $0x68, $0x38;
	[tilespmem:$0x1DC00] =	vst v63  }
.Ltmp3:
0x5c: {  	(pc) =	sbr.rel .LBB2_5-.Ltmp3, $4  }
0x5d: {  	_ = 	snop  }
0x5e: {  	_ =	swait.ge [sflag:s11], $0x3400  }
0x5f: {  	[sflag:s11] =	ssyncset.done $0x0  }
0x60: {  	p1 =	por $0x0, $0x0;
	[sflag:s11] =	ssyncadd.s32 $0xFFFFCC00  }
.LBB2_3:
0x61: {  	p1 =	por @!p0 $0x1, $0x1  }
.LBB2_5:
0x62: {  	s22 =	simm.s32 $0x0  }
0x63: {  	v2 =	vld [tilespmem:s22+$0x830]  }
0x64: {  	v4 =	vld [tilespmem:s22+$0xA470]  }
0x65: {  	v5 =	vld [tilespmem:s22+$0x800]  }
0x66: {  	v6 =	vld [tilespmem:s22+$0xA440]  }
0x67: {  	v1 =	vld [tilespmem:s22+$0x810]  }
0x68: {  	v3 =	vld [tilespmem:s22+$0xA450]  }
0x69: {  	v0 =	vld [tilespmem:s22+$0x820];
	v7 =	vadd.f32 v4, v2  }
0x6a: {  	s16 =	simm.s32 $0x80;
	v4 =	vld [tilespmem:s22+$0xA460]  }
0x6b: {  	s23 =	simm.s32 $0x400;
	v2 =	vld [tilespmem:s16+$0x830];
	v5 =	vadd.f32 v6, v5;
	[tilespmem:s22+$0x14030] =	vst v7  }
.LBB2_6:
0x6c: {  	p2 =	sne.s32 s23, $0xCE00;
	v6 =	vld [tilespmem:s16+$0xA470]  }
0x6d: {  	v7 =	vld [tilespmem:s16+$0x800];
	[tilespmem:s22+$0x14000] =	vst v5;
	v3 =	vadd.f32 v3, v1  }
0x6e: {  	v5 =	vld [tilespmem:s16+$0xA440]  }
.Ltmp4:
0x6f: {  	v1 =	vld [tilespmem:s16+$0x810];
	[tilespmem:s22+$0x14010] =	vst v3;
	v4 =	vadd.f32 v4, v0;
	(pc) =	sbr.rel @p2 .LBB2_6-.Ltmp4, $4  }
0x70: {  	v3 =	vld [tilespmem:s16+$0xA450]  }
0x71: {  	v0 =	vld [tilespmem:s16+$0x820];
	v6 =	vadd.f32 v6, v2;
	[tilespmem:s22+$0x14020] =	vst v4;
	s22 =	smov.u32 s16  }
0x72: {  	s16 =	sshra.s32 s23, $0x2;
	v4 =	vld [tilespmem:s22+$0xA460]  }
0x73: {  	s23 =	sadd.s32 $0x200, s23;
	v2 =	vld [tilespmem:s16+$0x830];
	v5 =	vadd.f32 v5, v7;
	[tilespmem:s22+$0x14030] =	vst v6  }
0x74: {  	v6 =	vld [tilespmem:s16+$0xA470]  }
0x75: {  	v7 =	vld [tilespmem:s16+$0x800];
	[tilespmem:s22+$0x14000] =	vst v5;
	v1 =	vadd.f32 v3, v1  }
0x76: {  	v3 =	vld [tilespmem:s16+$0xA440]  }
0x77: {  	v5 =	vld [tilespmem:s16+$0x810];
	[tilespmem:s22+$0x14010] =	vst v1;
	v0 =	vadd.f32 v4, v0  }
0x78: {  	v1 =	vld [tilespmem:s16+$0xA450]  }
0x79: {  	v4 =	vld [tilespmem:s16+$0x820];
	[tilespmem:s22+$0x14020] =	vst v0  }
0x7a: {  	v0 =	vld [tilespmem:s16+$0xA460];
	_ =	sdelay $0x1  }
0x7b: {  	v2 =	vadd.f32 v6, v2;
	s22 =	smul.u32 $0x138, s14  }
0x7c: {  	v3 =	vadd.f32 v3, v7  }
0x7d: {  	[tilespmem:s16+$0x14030] =	vst v2;
	s17 =	smin.u32 s22, $0x6140;
	v1 =	vadd.f32 v1, v5  }
0x7e: {  	s17 =	sadd.s32 s5, s17;
	[tilespmem:s16+$0x14000] =	vst v3;
	v0 =	vadd.f32 v0, v4  }
0x7f: {  	s17 =	sshll.u32 s17, $0x4;
	[tilespmem:s16+$0x14010] =	vst v1  }
0x80: {  	s24 =	sadd.s32 s7, s17;
	[tilespmem:s16+$0x14020] =	vst v0;
	s16 =	sadd.s32 @!p0 $0x3, s21  }
0x81: {  	[hbm4b:s24+s4] =	stream.linear.scatter [tilespmem:s29], [sflag:$0x4], $0x3400, $0x38;
	[tilespmem:$0x1DC00] =	vst v63  }
0x82: {  	s23 =	simm.s32 @!p0 $0x1;
	s17 =	smulhi.u32 @!p0 $0xAAAAAAAB, s16  }
0x83: {  	_ =	swait.ge @!p0 [sflag:s23], $0x68  }
0x84: {  	s17 =	sshrl.u32 @!p0 s17, $0x2;
	[sflag:s23] =	ssyncset.done @!p0 $0x0  }
0x85: {  	s17 =	smul.u32 @!p0 $0x6, s17;
	[sflag:s23] =	ssyncadd.s32 @!p0 $0xFFFFFF98  }
0x86: {  	_ =	swait.ge @!p0 [sflag:s23], $0x68  }
0x87: {  	s16 =	ssub.s32 @!p0 s16, s17;
	[sflag:s23] =	ssyncset.done @!p0 $0x0;
	s17 =	simm.s32 @!p0 $0x68  }
0x88: {  	s16 =	sshll.u32 @!p0 s16, $0x7;
	[sflag:s23] =	ssyncadd.s32 @!p0 $0xFFFFFF98;
	s23 =	simm.s32 @!p0 $0x800  }
0x89: {  	[tilespmem:s23], [sflag:$0x2] =	stream.indirect.gather @!p0 [hbm4b:s6+s17], $0x80, s16, s17, $0xb8;
	[tilespmem:$0x1DC00] =	vst v63  }
0x8a: {  	p2 =	sgt.u32 s14, $0x4E;
	s16 =	sor.u32 @!p0 $0x400, s16;
	s23 =	simm.s32 @!p0 $0xA400  }
0x8b: {  	[tilespmem:s23], [sflag:$0x3] =	stream.indirect.gather @!p0 [hbm4b:s6+s17], $0x80, s16, s17, $0xb8;
	[tilespmem:$0x1DC00] =	vst v63  }
0x8c: {  	s16 =	sadd.s32 @!p2 $0x6, s21  }
0x8d: {  	s17 =	smulhi.u32 @!p2 $0xAAAAAAAB, s16  }
0x8e: {  	_ =	swait.ge [sflag:s26], $0x3400;
	s23 =	smul.u32 @!p2 $0x68, s16  }
0x8f: {  	[sflag:s26] =	ssyncset.done $0x0;
	s17 =	sshrl.u32 @!p2 s17, $0x2  }
0x90: {  	[sflag:s26] =	ssyncadd.s32 $0xFFFFCC00;
	s23 =	smin.u32 @!p2 s23, $0x6140;
	s17 =	smul.u32 @!p2 $0x6, s17  }
0x91: {  	s24 =	simm.s32 @!p2 $0x0;
	_ =	swait.ge [sflag:s28], $0x3400;
	s23 =	sadd.s32 @!p2 s5, s23  }
0x92: {  	[sflag:s28] =	ssyncset.done $0x0;
	s16 =	ssub.s32 @!p2 s16, s17;
	s17 =	sshrl.u32 @!p2 s23, $0x3  }
0x93: {  	[sflag:s28] =	ssyncadd.s32 $0xFFFFCC00;
	s16 =	sshll.u32 @!p2 s16, $0x7;
	s23 =	sadd.s32 @!p2 s2, s17  }
0x94: {  	[tilespmem:s16], [sflag:$0x1] =	stream.linear.gather @!p2 [hbm4b:s23+s24], $0x68, $0x38;
	[tilespmem:$0x1DC00] =	vst v63  }
0x95: {  	s17 =	sadd.s32 @!p2 s3, s17;
	s16 =	sor.u32 @!p2 $0x400, s16  }
0x96: {  	[tilespmem:s16], [sflag:$0x1] =	stream.linear.gather @!p2 [hbm4b:s17+s24], $0x68, $0x38;
	[tilespmem:$0x1DC00] =	vst v63  }
0x97: {  	s16 =	simm.s32 @!p1 $0x4  }
0x98: {  	_ =	swait.ge @!p1 [sflag:s16], $0x3400  }
0x99: {  	[sflag:s16] =	ssyncset.done @!p1 $0x0  }
0x9a: {  	s23 =	simm.s32 $0x0;
	[sflag:s16] =	ssyncadd.s32 @!p1 $0xFFFFCC00  }
0x9b: {  	v2 =	vld [tilespmem:s23+$0x3C30]  }
0x9c: {  	v4 =	vld [tilespmem:s23+$0xD870]  }
0x9d: {  	v5 =	vld [tilespmem:s23+$0x3C00]  }
0x9e: {  	v6 =	vld [tilespmem:s23+$0xD840]  }
0x9f: {  	v1 =	vld [tilespmem:s23+$0x3C10]  }
0xa0: {  	v3 =	vld [tilespmem:s23+$0xD850]  }
0xa1: {  	v0 =	vld [tilespmem:s23+$0x3C20];
	v7 =	vadd.f32 v4, v2  }
0xa2: {  	s16 =	simm.s32 $0x80;
	v4 =	vld [tilespmem:s23+$0xD860]  }
0xa3: {  	s17 =	simm.s32 $0x400;
	v2 =	vld [tilespmem:s16+$0x3C30];
	v5 =	vadd.f32 v6, v5;
	[tilespmem:s23+$0x17430] =	vst v7  }
.LBB2_8:
0xa4: {  	p3 =	sne.s32 s17, $0xCE00;
	v6 =	vld [tilespmem:s16+$0xD870]  }
0xa5: {  	v7 =	vld [tilespmem:s16+$0x3C00];
	[tilespmem:s23+$0x17400] =	vst v5;
	v3 =	vadd.f32 v3, v1  }
0xa6: {  	v5 =	vld [tilespmem:s16+$0xD840]  }
.Ltmp5:
0xa7: {  	v1 =	vld [tilespmem:s16+$0x3C10];
	[tilespmem:s23+$0x17410] =	vst v3;
	v4 =	vadd.f32 v4, v0;
	(pc) =	sbr.rel @p3 .LBB2_8-.Ltmp5, $4  }
0xa8: {  	v3 =	vld [tilespmem:s16+$0xD850]  }
0xa9: {  	v0 =	vld [tilespmem:s16+$0x3C20];
	v6 =	vadd.f32 v6, v2;
	[tilespmem:s23+$0x17420] =	vst v4;
	s23 =	smov.u32 s16  }
0xaa: {  	s16 =	sshra.s32 s17, $0x2;
	v4 =	vld [tilespmem:s23+$0xD860]  }
0xab: {  	s17 =	sadd.s32 $0x200, s17;
	v2 =	vld [tilespmem:s16+$0x3C30];
	v5 =	vadd.f32 v5, v7;
	[tilespmem:s23+$0x17430] =	vst v6  }
0xac: {  	v6 =	vld [tilespmem:s16+$0xD870]  }
0xad: {  	v7 =	vld [tilespmem:s16+$0x3C00];
	[tilespmem:s23+$0x17400] =	vst v5;
	v1 =	vadd.f32 v3, v1  }
0xae: {  	v3 =	vld [tilespmem:s16+$0xD840]  }
0xaf: {  	v5 =	vld [tilespmem:s16+$0x3C10];
	[tilespmem:s23+$0x17410] =	vst v1;
	v0 =	vadd.f32 v4, v0  }
0xb0: {  	v1 =	vld [tilespmem:s16+$0xD850]  }
0xb1: {  	v4 =	vld [tilespmem:s16+$0x3C20];
	[tilespmem:s23+$0x17420] =	vst v0  }
0xb2: {  	v0 =	vld [tilespmem:s16+$0xD860];
	_ =	sdelay $0x1  }
0xb3: {  	v2 =	vadd.f32 v6, v2  }
0xb4: {  	v3 =	vadd.f32 v3, v7  }
0xb5: {  	s17 =	smin.u32 s22, $0x60D8;
	[tilespmem:s16+$0x17430] =	vst v2;
	v1 =	vadd.f32 v1, v5  }
0xb6: {  	s17 =	sadd.s32 s17, s8;
	[tilespmem:s16+$0x17400] =	vst v3;
	v0 =	vadd.f32 v0, v4  }
0xb7: {  	s17 =	sshll.u32 s17, $0x4;
	[tilespmem:s16+$0x17410] =	vst v1  }
0xb8: {  	s24 =	sadd.s32 s7, s17;
	[tilespmem:s16+$0x17420] =	vst v0;
	s16 =	sadd.s32 @!p0 $0x4, s21  }
0xb9: {  	[hbm4b:s24+s4] =	stream.linear.scatter [tilespmem:s9], [sflag:$0x4], $0x3400, $0x38;
	[tilespmem:$0x1DC00] =	vst v63  }
0xba: {  	s23 =	simm.s32 @!p0 $0x1;
	s17 =	smulhi.u32 @!p0 $0xAAAAAAAB, s16  }
0xbb: {  	_ =	swait.ge @!p0 [sflag:s23], $0x68  }
0xbc: {  	s17 =	sshrl.u32 @!p0 s17, $0x2;
	[sflag:s23] =	ssyncset.done @!p0 $0x0  }
0xbd: {  	s17 =	smul.u32 @!p0 $0x6, s17;
	[sflag:s23] =	ssyncadd.s32 @!p0 $0xFFFFFF98  }
0xbe: {  	_ =	swait.ge @!p0 [sflag:s23], $0x68  }
0xbf: {  	s16 =	ssub.s32 @!p0 s16, s17;
	[sflag:s23] =	ssyncset.done @!p0 $0x0;
	s17 =	simm.s32 @!p0 $0x68  }
0xc0: {  	s16 =	sshll.u32 @!p0 s16, $0x7;
	[sflag:s23] =	ssyncadd.s32 @!p0 $0xFFFFFF98;
	s23 =	simm.s32 @!p0 $0x3C00  }
0xc1: {  	[tilespmem:s23], [sflag:$0x2] =	stream.indirect.gather @!p0 [hbm4b:s6+s17], $0x80, s16, s17, $0xb8;
	[tilespmem:$0x1DC00] =	vst v63  }
0xc2: {  	s16 =	sor.u32 @!p0 $0x400, s16;
	s23 =	simm.s32 @!p0 $0xD800  }
0xc3: {  	[tilespmem:s23], [sflag:$0x3] =	stream.indirect.gather @!p0 [hbm4b:s6+s17], $0x80, s16, s17, $0xb8;
	[tilespmem:$0x1DC00] =	vst v63  }
0xc4: {  	s16 =	sadd.s32 @!p2 $0x7, s21  }
0xc5: {  	s17 =	smulhi.u32 @!p2 $0xAAAAAAAB, s16  }
0xc6: {  	_ =	swait.ge [sflag:s26], $0x3400;
	s21 =	smul.u32 @!p2 $0x68, s16  }
0xc7: {  	[sflag:s26] =	ssyncset.done $0x0;
	s17 =	sshrl.u32 @!p2 s17, $0x2  }
0xc8: {  	[sflag:s26] =	ssyncadd.s32 $0xFFFFCC00;
	s21 =	smin.u32 @!p2 s21, $0x6140;
	s17 =	smul.u32 @!p2 $0x6, s17  }
0xc9: {  	s23 =	simm.s32 @!p2 $0x0;
	_ =	swait.ge [sflag:s28], $0x3400;
	s21 =	sadd.s32 @!p2 s5, s21  }
0xca: {  	[sflag:s28] =	ssyncset.done $0x0;
	s16 =	ssub.s32 @!p2 s16, s17;
	s17 =	sshrl.u32 @!p2 s21, $0x3  }
0xcb: {  	[sflag:s28] =	ssyncadd.s32 $0xFFFFCC00;
	s16 =	sshll.u32 @!p2 s16, $0x7;
	s21 =	sadd.s32 @!p2 s2, s17  }
0xcc: {  	[tilespmem:s16], [sflag:$0x1] =	stream.linear.gather @!p2 [hbm4b:s21+s23], $0x68, $0x38;
	[tilespmem:$0x1DC00] =	vst v63  }
0xcd: {  	s17 =	sadd.s32 @!p2 s3, s17;
	s16 =	sor.u32 @!p2 $0x400, s16  }
0xce: {  	[tilespmem:s16], [sflag:$0x1] =	stream.linear.gather @!p2 [hbm4b:s17+s23], $0x68, $0x38;
	[tilespmem:$0x1DC00] =	vst v63  }
0xcf: {  	s16 =	simm.s32 @!p1 $0x4  }
0xd0: {  	_ =	swait.ge @!p1 [sflag:s16], $0x3400  }
0xd1: {  	[sflag:s16] =	ssyncset.done @!p1 $0x0  }
0xd2: {  	s21 =	simm.s32 $0x0;
	[sflag:s16] =	ssyncadd.s32 @!p1 $0xFFFFCC00  }
0xd3: {  	v2 =	vld [tilespmem:s21+$0x7030]  }
0xd4: {  	v4 =	vld [tilespmem:s21+$0x10C70]  }
0xd5: {  	v5 =	vld [tilespmem:s21+$0x7000]  }
0xd6: {  	v6 =	vld [tilespmem:s21+$0x10C40]  }
0xd7: {  	v1 =	vld [tilespmem:s21+$0x7010]  }
0xd8: {  	v3 =	vld [tilespmem:s21+$0x10C50]  }
0xd9: {  	v0 =	vld [tilespmem:s21+$0x7020];
	v7 =	vadd.f32 v4, v2  }
0xda: {  	s16 =	simm.s32 $0x80;
	v4 =	vld [tilespmem:s21+$0x10C60]  }
0xdb: {  	s17 =	simm.s32 $0x400;
	v2 =	vld [tilespmem:s16+$0x7030];
	v5 =	vadd.f32 v6, v5;
	[tilespmem:s21+$0x1A830] =	vst v7  }
.LBB2_10:
0xdc: {  	p1 =	sne.s32 s17, $0xCE00;
	v6 =	vld [tilespmem:s16+$0x10C70]  }
0xdd: {  	v7 =	vld [tilespmem:s16+$0x7000];
	[tilespmem:s21+$0x1A800] =	vst v5;
	v3 =	vadd.f32 v3, v1  }
0xde: {  	v5 =	vld [tilespmem:s16+$0x10C40]  }
.Ltmp6:
0xdf: {  	v1 =	vld [tilespmem:s16+$0x7010];
	[tilespmem:s21+$0x1A810] =	vst v3;
	v4 =	vadd.f32 v4, v0;
	(pc) =	sbr.rel @p1 .LBB2_10-.Ltmp6, $4  }
0xe0: {  	v3 =	vld [tilespmem:s16+$0x10C50]  }
0xe1: {  	v0 =	vld [tilespmem:s16+$0x7020];
	v6 =	vadd.f32 v6, v2;
	[tilespmem:s21+$0x1A820] =	vst v4;
	s21 =	smov.u32 s16  }
0xe2: {  	s16 =	sshra.s32 s17, $0x2;
	v4 =	vld [tilespmem:s21+$0x10C60]  }
0xe3: {  	s17 =	sadd.s32 $0x200, s17;
	v2 =	vld [tilespmem:s16+$0x7030];
	v5 =	vadd.f32 v5, v7;
	[tilespmem:s21+$0x1A830] =	vst v6  }
0xe4: {  	v6 =	vld [tilespmem:s16+$0x10C70]  }
0xe5: {  	v7 =	vld [tilespmem:s16+$0x7000];
	[tilespmem:s21+$0x1A800] =	vst v5;
	v1 =	vadd.f32 v3, v1  }
0xe6: {  	v62 =	vld [tilespmem:s16+$0x10C40]  }
0xe7: {  	v5 =	vld [tilespmem:s16+$0x7010];
	[tilespmem:s21+$0x1A810] =	vst v1;
	v0 =	vadd.f32 v4, v0  }
0xe8: {  	v1 =	vld [tilespmem:s16+$0x10C50]  }
0xe9: {  	v63 =	vld [tilespmem:s16+$0x7020];
	[tilespmem:s21+$0x1A820] =	vst v0  }
0xea: {  	v0 =	vld [tilespmem:s16+$0x10C60];
	_ =	sdelay $0x1  }
0xeb: {  	v2 =	vadd.f32 v6, v2  }
0xec: {  	v3 =	vadd.f32 v62, v7  }
.Ltmp7:
0xed: {  	s17 =	smin.u32 s22, $0x6070;
	[tilespmem:s16+$0x1A830] =	vst v2;
	v1 =	vadd.f32 v1, v5;
	(pc) =	sbr.rel @p0 .LBB2_13-.Ltmp7, $4  }
0xee: {  	s17 =	sadd.s32 s17, s12;
	[tilespmem:s16+$0x1A800] =	vst v3;
	v0 =	vadd.f32 v0, v63  }
0xef: {  	s17 =	sshll.u32 s17, $0x4;
	[tilespmem:s16+$0x1A810] =	vst v1  }
0xf0: {  	s24 =	sadd.s32 s7, s17;
	[tilespmem:s16+$0x1A820] =	vst v0  }
0xf1: {  	[hbm4b:s24+s4] =	stream.linear.scatter [tilespmem:s10], [sflag:$0x4], $0x3400, $0x38;
	[tilespmem:$0x1DC00] =	vst v63  }
0xf2: {  	s16 =	smulhi.u32 $0xAAAAAAAB, s15  }
0xf3: {  	_ =	swait.ge [sflag:s31], $0x68  }
0xf4: {  	[sflag:s31] =	ssyncset.done $0x0;
	s16 =	sshrl.u32 s16, $0x2  }
0xf5: {  	[sflag:s31] =	ssyncadd.s32 $0xFFFFFF98;
	s16 =	smul.u32 $0x6, s16  }
0xf6: {  	_ =	swait.ge [sflag:s31], $0x68  }
.Ltmp8:
0xf7: {  	[sflag:s31] =	ssyncset.done $0x0;
	s24 =	ssub.s32 s15, s16;
	(pc) =	sbr.rel .LBB2_2-.Ltmp8, $4  }
0xf8: {  	[sflag:s31] =	ssyncadd.s32 $0xFFFFFF98;
	s15 =	sshll.u32 s24, $0x7  }
0xf9: {  	[tilespmem:s30], [sflag:$0x2] =	stream.indirect.gather [hbm4b:s6+s0], $0x80, s15, s0, $0xb8;
	[tilespmem:$0x1DC00] =	vst v63  }
0xfa: {  	s14 =	sadd.s32 $0x1, s14;
	s15 =	sor.u32 $0x400, s15  }
0xfb: {  	[tilespmem:s1], [sflag:$0x3] =	stream.indirect.gather [hbm4b:s6+s0], $0x80, s15, s0, $0xb8;
	[tilespmem:$0x1DC00] =	vst v63  }
.LBB2_14:
0xfc: {  	_ =	sfence.sel $0x180000  }
0xfd: {  	[bflag:$0x0] =	sbarrier.arrive $0xFFFF  }
0xfe: {  	_ =	strace $0x90000047  }
0xff: {  	s0 =	stileid.u32;
	[bflag:$0x2] =	sbarrier.arrive $0xFFFF  }
0x100: {  	p0 =	sne.s32 s0, $0x0;
	s0 =	rddreg [dreg:$0x3]  }
0x101: {  	s0 =	sadd.s32 @!p0 $0x100000, s0  }
0x102: {  	[sflag:s0] =	ssyncadd.tile.s32 @!p0 $0x1;
	_ =	shalt  }
.Lfunc_end2:
_tile_overlayer_lowered:
.L_overlay_start_2:
0x103: {  	(tag) =	ssettag $0x2  }
0x104: {  	s0 =	rddreg [dreg:$0x0];
	s2 =	stileid.u32  }
0x105: {  	s1 =	rddreg [dreg:$0x1];
	p0 =	sne.s32 s2, $0x0  }
0x106: {  	s3 =	rddreg [dreg:$0x2];
	[bflag:$0x3] =	sbarrier.arrive $0xFFFF;
	s2 =	simm.s32 @!p0 $0x1C05  }
0x107: {  	[timem:s3], [sflag:s2] =	dma.local @!p0 [hbm:s0], s1  }
0x108: {  	s0 =	simm.s32 @!p0 $0x5  }
0x109: {  	_ =	swait.ge @!p0 [sflag:s0], s1  }
0x10a: {  	s1 =	ssub.s32 @!p0 $0x0, s1;
	[sflag:s0] =	ssyncset.done @!p0 $0x0  }
0x10b: {  	[sflag:s0] =	ssyncadd.s32 @!p0 s1  }
0x10c: {  	[bflag:$0x3] =	sbarrier.arrive $0xFFFF  }
0x10d: {  	_ =	shalt  }

</sc_bundles>
